<compile_context>
chip_gen: v7x
topology: tpu7x:2x2x1
jax: 0.10.2.dev20260603
libtpu: 0.0.44.dev20260713+nightly
codegen_flags: <defaults>
</compile_context>

<pallas_src>
import functools

import numpy as np
import jax
import jax.numpy as jnp
from jax import lax
from jax.experimental import pallas as pl
from jax.experimental.pallas import tpu as pltpu
from jax.experimental.pallas import tpu_sc as plsc

_EMB = 128
_R = 6
_CUTOFF = 5.0
_N = 10000
_E = 320000

_NW = 32
_EPW = _E // _NW
_NPAD = 10240
_HPW = _NPAD // _NW
_HCH = 80

_BE = 6400
_GRID = _E // _BE
_DSUB = _BE // 128


def _sc_gather(src, dst, Z, Zpad, emb_table):
    mesh = plsc.VectorSubcoreMesh(core_axis_name="c", subcore_axis_name="s")

    @functools.partial(
        pl.kernel,
        mesh=mesh,
        compiler_params=pltpu.CompilerParams(needs_layout_passes=False),
        out_type=(
            jax.ShapeDtypeStruct((_E,), jnp.int32),
            jax.ShapeDtypeStruct((_E,), jnp.int32),
            jax.ShapeDtypeStruct((_NPAD, _EMB), jnp.float32),
        ),
        scratch_types=[
            pltpu.VMEM((_N,), jnp.int32),
            pltpu.VMEM((_EPW,), jnp.int32),
            pltpu.VMEM((_EPW,), jnp.int32),
            pltpu.VMEM((_HPW,), jnp.int32),
            pltpu.VMEM((_HPW // _HCH, _HCH, _EMB), jnp.float32),
            pltpu.SemaphoreType.DMA,
        ],
    )
    def sc_kern(src_hbm, dst_hbm, z_hbm, zpad_hbm, emb_hbm,
                zsrc_hbm, zdst_hbm, h_hbm,
                z_v, idx_v, out_v, hidx_v, hrow_v, sem):
        wid = lax.axis_index("s") * 2 + lax.axis_index("c")
        ebase = wid * _EPW
        pltpu.sync_copy(z_hbm, z_v)

        def gather_endpoint(ep_hbm, out_hbm):
            pltpu.sync_copy(ep_hbm.at[pl.ds(ebase, _EPW)], idx_v)

            @plsc.parallel_loop(0, _EPW // 16, unroll=8)
            def _gather(i):
                ids = idx_v[pl.ds(i * 16, 16)]
                out_v[pl.ds(i * 16, 16)] = plsc.load_gather(z_v, [ids])

            pltpu.sync_copy(out_v, out_hbm.at[pl.ds(ebase, _EPW)])

        gather_endpoint(src_hbm, zsrc_hbm)
        gather_endpoint(dst_hbm, zdst_hbm)

        hbase = wid * _HPW
        pltpu.sync_copy(zpad_hbm.at[pl.ds(hbase, _HPW)], hidx_v)
        copies = []
        for j in range(_HPW // _HCH):
            copies.append(pltpu.async_copy(
                emb_hbm.at[hidx_v.at[pl.ds(j * _HCH, _HCH)]],
                hrow_v.at[j], sem))
        for j, c in enumerate(copies):
            c.wait()
            pltpu.sync_copy(hrow_v.at[j],
                            h_hbm.at[pl.ds(hbase + j * _HCH, _HCH), :])

    return sc_kern(src, dst, Z, Zpad, emb_table)


def _tc_body(zsrc_ref, zdst_ref, rbf_ref, d_ref,
             emb_ref, wd_ref, wrbf_ref, bdense_ref,
             m_ref, env_ref, t_s, biasT_s):
    @pl.when(pl.program_id(0) == 0)
    def _init():
        emb = emb_ref[...]
        w3 = wd_ref[2 * _EMB:3 * _EMB, :]
        t_s[0:_EMB, :] = jnp.dot(emb, wd_ref[0:_EMB, :],
                                 preferred_element_type=jnp.float32)
        t_s[_EMB:2 * _EMB, :] = jnp.dot(emb, wd_ref[_EMB:2 * _EMB, :],
                                        preferred_element_type=jnp.float32)
        t_s[2 * _EMB:2 * _EMB + 8, :] = jnp.dot(
            wrbf_ref[...], w3, preferred_element_type=jnp.float32)
        biasT_s[...] = bdense_ref[...]

    zs = zsrc_ref[0]
    zd = zdst_ref[0]
    cls = lax.broadcasted_iota(jnp.int32, (_EMB, _BE), 0)
    onezero = (lax.broadcasted_iota(jnp.int32, (2, _BE), 0) == 0
               ).astype(jnp.float32)
    lhs = jnp.concatenate(
        [(zs == cls).astype(jnp.float32),
         (zd == cls).astype(jnp.float32),
         rbf_ref[0], onezero], axis=0)
    m_ref[0] = lax.dot_general(lhs, t_s[...], (((0,), (0,)), ((), ())),
                               preferred_element_type=jnp.float32) + biasT_s[...]

    x = d_ref[0] * (1.0 / _CUTOFF)
    inv = 1.0 / x
    x2 = x * x
    x5 = x2 * x2 * x
    envl = inv + x5 * (-28.0 + x * (48.0 - 21.0 * x))
    coef = envl * inv * np.float32(np.sqrt(2.0 / _CUTOFF))
    th = np.float32(np.pi) * x
    s1 = jnp.sin(th)
    c2 = 2.0 * jnp.cos(th)
    s2 = c2 * s1
    s3 = c2 * s2 - s1
    s4 = c2 * s3 - s2
    s5 = c2 * s4 - s3
    s6 = c2 * s5 - s4
    env_ref[0, 0] = coef * s1
    env_ref[0, 1] = coef * s2
    env_ref[0, 2] = coef * s3
    env_ref[0, 3] = coef * s4
    env_ref[0, 4] = coef * s5
    env_ref[0, 5] = coef * s6


def kernel(Z, edge_index, rbf, d, emb_table, W_rbf, b_rbf, W_dense, b_dense):
    Zpad = jnp.pad(Z.astype(jnp.int32), (0, _NPAD - _N))
    ei = edge_index.astype(jnp.int32)
    zsrc, zdst, hpad = _sc_gather(ei[0], ei[1],
                                  Z.astype(jnp.int32), Zpad, emb_table)

    zsrc3 = zsrc.reshape(_GRID, 1, _BE)
    zdst3 = zdst.reshape(_GRID, 1, _BE)
    rbfT = rbf.reshape(_GRID, _BE, _R).transpose(0, 2, 1)
    d3 = d.reshape(_GRID, _DSUB, 128)
    emb_pad = jnp.pad(emb_table, ((0, _EMB - emb_table.shape[0]), (0, 0)))
    wrbf_pad = jnp.concatenate(
        [W_rbf, b_rbf.reshape(1, _EMB), jnp.zeros((1, _EMB), jnp.float32)],
        axis=0)
    bdense2 = b_dense.reshape(1, _EMB)

    m3, env3 = pl.pallas_call(
        _tc_body,
        grid=(_GRID,),
        in_specs=[
            pl.BlockSpec((1, 1, _BE), lambda i: (i, 0, 0)),
            pl.BlockSpec((1, 1, _BE), lambda i: (i, 0, 0)),
            pl.BlockSpec((1, _R, _BE), lambda i: (i, 0, 0)),
            pl.BlockSpec((1, _DSUB, 128), lambda i: (i, 0, 0)),
            pl.BlockSpec((_EMB, _EMB), lambda i: (0, 0)),
            pl.BlockSpec((3 * _EMB, _EMB), lambda i: (0, 0)),
            pl.BlockSpec((8, _EMB), lambda i: (0, 0)),
            pl.BlockSpec((1, _EMB), lambda i: (0, 0)),
        ],
        out_specs=[
            pl.BlockSpec((1, _BE, _EMB), lambda i: (i, 0, 0)),
            pl.BlockSpec((1, _R, _DSUB, 128), lambda i: (i, 0, 0, 0)),
        ],
        out_shape=[
            jax.ShapeDtypeStruct((_GRID, _BE, _EMB), jnp.float32),
            jax.ShapeDtypeStruct((_GRID, _R, _DSUB, 128), jnp.float32),
        ],
        scratch_shapes=[
            pltpu.VMEM((2 * _EMB + 8, _EMB), jnp.float32),
            pltpu.VMEM((1, _EMB), jnp.float32),
        ],
    )(zsrc3, zdst3, rbfT, d3, emb_pad, W_dense, wrbf_pad, bdense2)

    h = hpad[:_N]
    m = m3.reshape(_E, _EMB)
    rbf_env = env3.transpose(0, 2, 3, 1).reshape(_E, _R)
    return (h, m, rbf_env)

# --- scband reference (transcript-rebuilt; emitter-appended) ---
"""Pipeline reference for scband-embedding-block-40664750358960 (READ-ONLY COPY).

The authoritative reference and input builder live on the scoring server;
editing this copy changes nothing except your own understanding.
"""

import jax, jax.numpy as jnp
import numpy as np

EMB_SIZE = 128
NUM_RADIAL = 6
CUTOFF = 5.0
ENV_EXPONENT = 5
NUM_ATOM_TYPES = 95
N_NODES = 10000
N_EDGES = 320000


def envelope(x):
    # DimeNet smooth cutoff envelope u(x) with exponent p = envelope_exponent + 1
    p = ENV_EXPONENT + 1
    a = -(p + 1) * (p + 2) / 2.0
    b = p * (p + 2) * 1.0
    c = -p * (p + 1) / 2.0
    x_p_0 = x ** (p - 1)
    x_p_1 = x_p_0 * x
    x_p_2 = x_p_1 * x
    return 1.0 / x + a * x_p_0 + b * x_p_1 + c * x_p_2


def bessel_funcs_apply(x):
    # list of num_radial Bessel basis functions f_n(x) = sqrt(2/cutoff) * sin(n*pi*x) / x,
    # applied to the scaled distance; stacked on axis 1 -> [E, NUM_RADIAL]
    n = jnp.arange(1, NUM_RADIAL + 1, dtype=jnp.float32)  # [R]
    return jnp.sqrt(2.0 / CUTOFF) * jnp.sin(n[None, :] * jnp.pi * x[:, None]) / x[:, None]


def setup_inputs(seed: int = 0) -> dict:
    key = jax.random.key(seed)
    ks = jax.random.split(key, 9)
    Z = jax.random.randint(ks[0], (N_NODES,), 0, NUM_ATOM_TYPES, dtype=jnp.int64 if jax.config.jax_enable_x64 else jnp.int32)
    edge_index = jax.random.randint(ks[1], (2, N_EDGES), 0, N_NODES, dtype=jnp.int64 if jax.config.jax_enable_x64 else jnp.int32)
    rbf = jax.random.normal(ks[2], (N_EDGES, NUM_RADIAL), dtype=jnp.float32)
    # distances strictly positive and below cutoff (envelope has a 1/x term)
    d = jax.random.uniform(ks[3], (N_EDGES,), dtype=jnp.float32, minval=0.5, maxval=CUTOFF)
    # parameters
    sqrt3 = float(np.sqrt(3.0))
    emb_table = jax.random.uniform(ks[4], (NUM_ATOM_TYPES, EMB_SIZE), dtype=jnp.float32, minval=-sqrt3, maxval=sqrt3)
    W_rbf = jax.random.normal(ks[5], (NUM_RADIAL, EMB_SIZE), dtype=jnp.float32) * (1.0 / np.sqrt(NUM_RADIAL))
    b_rbf = jnp.zeros((EMB_SIZE,), dtype=jnp.float32)
    W_dense = jax.random.normal(ks[6], (3 * EMB_SIZE, EMB_SIZE), dtype=jnp.float32) * (1.0 / np.sqrt(3 * EMB_SIZE))
    b_dense = jnp.zeros((EMB_SIZE,), dtype=jnp.float32)
    return {"Z": Z, "edge_index": edge_index, "rbf": rbf, "d": d,
            "emb_table": emb_table, "W_rbf": W_rbf, "b_rbf": b_rbf,
            "W_dense": W_dense, "b_dense": b_dense}


def reference(Z, edge_index, rbf, d, emb_table, W_rbf, b_rbf, W_dense, b_dense):
    # node embedding lookup: g.ndata['h'] = embedding(Z)
    h = jnp.take(emb_table, Z, axis=0)                 # [N, emb]
    src = edge_index[0]
    dst = edge_index[1]
    # edge_init
    rbf_lin = rbf @ W_rbf + b_rbf                      # [E, emb] (activation is None)
    h_src = jnp.take(h, src, axis=0)                   # [E, emb]
    h_dst = jnp.take(h, dst, axis=0)                   # [E, emb]
    m = jnp.concatenate([h_src, h_dst, rbf_lin], axis=-1) @ W_dense + b_dense  # [E, emb]
    d_scaled = d / CUTOFF
    rbf_env = bessel_funcs_apply(d_scaled)             # [E, num_radial]
    d_cutoff = envelope(d_scaled)                      # [E]
    rbf_env = d_cutoff[:, None] * rbf_env              # [E, num_radial]
    return (h, m, rbf_env)

if __name__ == "__main__":
    import jax
    _d = setup_inputs()
    print(jax.jit(kernel)(*tuple(_d.values())))

</pallas_src>

<mosaic_0001>
#map = affine_map<(d0, d1) -> (0)>
#map1 = affine_map<(d0, d1) -> (0, 0)>
module attributes {stable_mosaic.version = 14 : i64} {
  func.func @sc_kern(%arg0: i32, %arg1: i32, %arg2: memref<320000xi32, #tpu.memory_space<hbm>>, %arg3: memref<320000xi32, #tpu.memory_space<hbm>>, %arg4: memref<10000xi32, #tpu.memory_space<hbm>>, %arg5: memref<10240xi32, #tpu.memory_space<hbm>>, %arg6: memref<95x128xf32, #tpu.memory_space<hbm>>, %arg7: memref<320000xi32, #tpu.memory_space<hbm>>, %arg8: memref<320000xi32, #tpu.memory_space<hbm>>, %arg9: memref<10240x128xf32, #tpu.memory_space<hbm>>, %arg10: memref<10000xi32, #tpu.memory_space<vmem>>, %arg11: memref<10000xi32, #tpu.memory_space<vmem>>, %arg12: memref<10000xi32, #tpu.memory_space<vmem>>, %arg13: memref<320xi32, #tpu.memory_space<vmem>>, %arg14: memref<4x80x128xf32, #tpu.memory_space<vmem>>, %arg15: memref<!tpu.dma_semaphore, #tpu.memory_space<semaphore_mem>>) attributes {dimension_semantics = [#tpu.dimension_semantics<core_parallel>, #tpu.dimension_semantics<subcore_parallel>], iteration_bounds = array<i64: 2, 16>, scalar_prefetch = 0 : i64, scratch_operands = 6 : i64, tpu.core_type = #tpu.core_type<sc_vector_subcore>, window_params = [{transform_indices = #map}, {transform_indices = #map}, {transform_indices = #map}, {transform_indices = #map}, {transform_indices = #map1}, {transform_indices = #map}, {transform_indices = #map}, {transform_indices = #map1}]} {
    %mul3A = arith.constant 2 : i32
    %mul3A_0 = arith.muli %arg1, %mul3A : i32
    %add3A = arith.addi %mul3A_0, %arg0 : i32
    %mul3A_1 = arith.constant 10000 : i32
    %mul3A_2 = arith.muli %add3A, %mul3A_1 : i32
    "tpu.region"() ({
      %run_scoped3A_99 = tpu.sem_alloc : memref<!tpu.dma_semaphore, #tpu.memory_space<semaphore_mem>>
      tpu.enqueue_dma source(%arg4 : memref<10000xi32, #tpu.memory_space<hbm>>) target(%arg10 : memref<10000xi32, #tpu.memory_space<vmem>>) target_semaphore(%run_scoped3A_99 : memref<!tpu.dma_semaphore, #tpu.memory_space<semaphore_mem>>)
      tpu.wait_dma2 semaphore(%run_scoped3A_99 : memref<!tpu.dma_semaphore, #tpu.memory_space<semaphore_mem>>) src(%arg4 : memref<10000xi32, #tpu.memory_space<hbm>>) dst(%arg10 : memref<10000xi32, #tpu.memory_space<vmem>>)
      tpu.yield
    }) : () -> ()
    "tpu.region"() ({
      %run_scoped3A_99 = tpu.sem_alloc : memref<!tpu.dma_semaphore, #tpu.memory_space<semaphore_mem>>
      %dma_start3A_100 = tpu.memref_slice %arg2[%mul3A_2] : memref<320000xi32, #tpu.memory_space<hbm>> -> memref<10000xi32, #tpu.memory_space<hbm>>
      %dma_start3A_101 = tpu.memref_slice %arg2[%mul3A_2] : memref<320000xi32, #tpu.memory_space<hbm>> -> memref<10000xi32, #tpu.memory_space<hbm>>
      tpu.enqueue_dma source(%dma_start3A_101 : memref<10000xi32, #tpu.memory_space<hbm>>) target(%arg11 : memref<10000xi32, #tpu.memory_space<vmem>>) target_semaphore(%run_scoped3A_99 : memref<!tpu.dma_semaphore, #tpu.memory_space<semaphore_mem>>)
      %dma_wait3A_102 = tpu.memref_slice %arg2[%mul3A_2] : memref<320000xi32, #tpu.memory_space<hbm>> -> memref<10000xi32, #tpu.memory_space<hbm>>
      %dma_wait3A_103 = tpu.memref_slice %arg2[%mul3A_2] : memref<320000xi32, #tpu.memory_space<hbm>> -> memref<10000xi32, #tpu.memory_space<hbm>>
      tpu.wait_dma2 semaphore(%run_scoped3A_99 : memref<!tpu.dma_semaphore, #tpu.memory_space<semaphore_mem>>) src(%dma_wait3A_103 : memref<10000xi32, #tpu.memory_space<hbm>>) dst(%arg11 : memref<10000xi32, #tpu.memory_space<vmem>>)
      tpu.yield
    }) : () -> ()
    %parallel_loop3A = arith.constant 0 : i32
    %parallel_loop3A_3 = arith.constant 625 : i32
    %parallel_loop3A_4 = arith.constant 1 : i32
    scf.for %parallel_loop3A_99 = %parallel_loop3A to %parallel_loop3A_3 step %parallel_loop3A_4  : i32 {
      %parallel_loop3A_100 = arith.constant 16 : i32
      %parallel_loop3A_101 = arith.muli %parallel_loop3A_99, %parallel_loop3A_100 : i32
      %parallel_loop3A_102 = arith.index_cast %parallel_loop3A_101 : i32 to index
      %parallel_loop3A_103 = tpu.vector_load %arg11[%parallel_loop3A_102] {strides = array<i32>} : memref<10000xi32, #tpu.memory_space<vmem>>, vector<16xi32>,
      %parallel_loop3A_104 = tpu.vector_load_idx %arg10[%parallel_loop3A_103] : memref<10000xi32, #tpu.memory_space<vmem>>[vector<16xi32>], vector<16xi32>,
      %parallel_loop3A_105 = arith.constant 16 : i32
      %parallel_loop3A_106 = arith.muli %parallel_loop3A_99, %parallel_loop3A_105 : i32
      %parallel_loop3A_107 = arith.index_cast %parallel_loop3A_106 : i32 to index
      %parallel_loop3A_108 = tpu.vector_load %arg12[%parallel_loop3A_107] {strides = array<i32>} : memref<10000xi32, #tpu.memory_space<vmem>>, vector<16xi32>,
      tpu.vector_store %arg12[%parallel_loop3A_107], %parallel_loop3A_104 {strides = array<i32>} : memref<10000xi32, #tpu.memory_space<vmem>>, vector<16xi32>,
    } {sc.loop_unroll_factor = 8 : i64, sc.parallel_access}
    "tpu.region"() ({
      %run_scoped3A_99 = tpu.sem_alloc : memref<!tpu.dma_semaphore, #tpu.memory_space<semaphore_mem>>
      %dma_start3A_100 = tpu.memref_slice %arg7[%mul3A_2] : memref<320000xi32, #tpu.memory_space<hbm>> -> memref<10000xi32, #tpu.memory_space<hbm>>
      %dma_start3A_101 = tpu.memref_slice %arg7[%mul3A_2] : memref<320000xi32, #tpu.memory_space<hbm>> -> memref<10000xi32, #tpu.memory_space<hbm>>
      tpu.enqueue_dma source(%arg12 : memref<10000xi32, #tpu.memory_space<vmem>>) target(%dma_start3A_101 : memref<10000xi32, #tpu.memory_space<hbm>>) target_semaphore(%run_scoped3A_99 : memref<!tpu.dma_semaphore, #tpu.memory_space<semaphore_mem>>)
      %dma_wait3A_102 = tpu.memref_slice %arg7[%mul3A_2] : memref<320000xi32, #tpu.memory_space<hbm>> -> memref<10000xi32, #tpu.memory_space<hbm>>
      %dma_wait3A_103 = tpu.memref_slice %arg7[%mul3A_2] : memref<320000xi32, #tpu.memory_space<hbm>> -> memref<10000xi32, #tpu.memory_space<hbm>>
      tpu.wait_dma2 semaphore(%run_scoped3A_99 : memref<!tpu.dma_semaphore, #tpu.memory_space<semaphore_mem>>) src(%arg12 : memref<10000xi32, #tpu.memory_space<vmem>>) dst(%dma_wait3A_103 : memref<10000xi32, #tpu.memory_space<hbm>>)
      tpu.yield
    }) : () -> ()
    "tpu.region"() ({
      %run_scoped3A_99 = tpu.sem_alloc : memref<!tpu.dma_semaphore, #tpu.memory_space<semaphore_mem>>
      %dma_start3A_100 = tpu.memref_slice %arg3[%mul3A_2] : memref<320000xi32, #tpu.memory_space<hbm>> -> memref<10000xi32, #tpu.memory_space<hbm>>
      %dma_start3A_101 = tpu.memref_slice %arg3[%mul3A_2] : memref<320000xi32, #tpu.memory_space<hbm>> -> memref<10000xi32, #tpu.memory_space<hbm>>
      tpu.enqueue_dma source(%dma_start3A_101 : memref<10000xi32, #tpu.memory_space<hbm>>) target(%arg11 : memref<10000xi32, #tpu.memory_space<vmem>>) target_semaphore(%run_scoped3A_99 : memref<!tpu.dma_semaphore, #tpu.memory_space<semaphore_mem>>)
      %dma_wait3A_102 = tpu.memref_slice %arg3[%mul3A_2] : memref<320000xi32, #tpu.memory_space<hbm>> -> memref<10000xi32, #tpu.memory_space<hbm>>
      %dma_wait3A_103 = tpu.memref_slice %arg3[%mul3A_2] : memref<320000xi32, #tpu.memory_space<hbm>> -> memref<10000xi32, #tpu.memory_space<hbm>>
      tpu.wait_dma2 semaphore(%run_scoped3A_99 : memref<!tpu.dma_semaphore, #tpu.memory_space<semaphore_mem>>) src(%dma_wait3A_103 : memref<10000xi32, #tpu.memory_space<hbm>>) dst(%arg11 : memref<10000xi32, #tpu.memory_space<vmem>>)
      tpu.yield
    }) : () -> ()
    %parallel_loop3A_5 = arith.constant 0 : i32
    %parallel_loop3A_6 = arith.constant 625 : i32
    %parallel_loop3A_7 = arith.constant 1 : i32
    scf.for %parallel_loop3A_99 = %parallel_loop3A_5 to %parallel_loop3A_6 step %parallel_loop3A_7  : i32 {
      %parallel_loop3A_100 = arith.constant 16 : i32
      %parallel_loop3A_101 = arith.muli %parallel_loop3A_99, %parallel_loop3A_100 : i32
      %parallel_loop3A_102 = arith.index_cast %parallel_loop3A_101 : i32 to index
      %parallel_loop3A_103 = tpu.vector_load %arg11[%parallel_loop3A_102] {strides = array<i32>} : memref<10000xi32, #tpu.memory_space<vmem>>, vector<16xi32>,
      %parallel_loop3A_104 = tpu.vector_load_idx %arg10[%parallel_loop3A_103] : memref<10000xi32, #tpu.memory_space<vmem>>[vector<16xi32>], vector<16xi32>,
      %parallel_loop3A_105 = arith.constant 16 : i32
      %parallel_loop3A_106 = arith.muli %parallel_loop3A_99, %parallel_loop3A_105 : i32
      %parallel_loop3A_107 = arith.index_cast %parallel_loop3A_106 : i32 to index
      %parallel_loop3A_108 = tpu.vector_load %arg12[%parallel_loop3A_107] {strides = array<i32>} : memref<10000xi32, #tpu.memory_space<vmem>>, vector<16xi32>,
      tpu.vector_store %arg12[%parallel_loop3A_107], %parallel_loop3A_104 {strides = array<i32>} : memref<10000xi32, #tpu.memory_space<vmem>>, vector<16xi32>,
    } {sc.loop_unroll_factor = 8 : i64, sc.parallel_access}
    "tpu.region"() ({
      %run_scoped3A_99 = tpu.sem_alloc : memref<!tpu.dma_semaphore, #tpu.memory_space<semaphore_mem>>
      %dma_start3A_100 = tpu.memref_slice %arg8[%mul3A_2] : memref<320000xi32, #tpu.memory_space<hbm>> -> memref<10000xi32, #tpu.memory_space<hbm>>
      %dma_start3A_101 = tpu.memref_slice %arg8[%mul3A_2] : memref<320000xi32, #tpu.memory_space<hbm>> -> memref<10000xi32, #tpu.memory_space<hbm>>
      tpu.enqueue_dma source(%arg12 : memref<10000xi32, #tpu.memory_space<vmem>>) target(%dma_start3A_101 : memref<10000xi32, #tpu.memory_space<hbm>>) target_semaphore(%run_scoped3A_99 : memref<!tpu.dma_semaphore, #tpu.memory_space<semaphore_mem>>)
      %dma_wait3A_102 = tpu.memref_slice %arg8[%mul3A_2] : memref<320000xi32, #tpu.memory_space<hbm>> -> memref<10000xi32, #tpu.memory_space<hbm>>
      %dma_wait3A_103 = tpu.memref_slice %arg8[%mul3A_2] : memref<320000xi32, #tpu.memory_space<hbm>> -> memref<10000xi32, #tpu.memory_space<hbm>>
      tpu.wait_dma2 semaphore(%run_scoped3A_99 : memref<!tpu.dma_semaphore, #tpu.memory_space<semaphore_mem>>) src(%arg12 : memref<10000xi32, #tpu.memory_space<vmem>>) dst(%dma_wait3A_103 : memref<10000xi32, #tpu.memory_space<hbm>>)
      tpu.yield
    }) : () -> ()
    %mul3A_8 = arith.constant 320 : i32
    %mul3A_9 = arith.muli %add3A, %mul3A_8 : i32
    "tpu.region"() ({
      %run_scoped3A_99 = tpu.sem_alloc : memref<!tpu.dma_semaphore, #tpu.memory_space<semaphore_mem>>
      %dma_start3A_100 = tpu.memref_slice %arg5[%mul3A_9] : memref<10240xi32, #tpu.memory_space<hbm>> -> memref<320xi32, #tpu.memory_space<hbm>>
      %dma_start3A_101 = tpu.memref_slice %arg5[%mul3A_9] : memref<10240xi32, #tpu.memory_space<hbm>> -> memref<320xi32, #tpu.memory_space<hbm>>
      tpu.enqueue_dma source(%dma_start3A_101 : memref<320xi32, #tpu.memory_space<hbm>>) target(%arg13 : memref<320xi32, #tpu.memory_space<vmem>>) target_semaphore(%run_scoped3A_99 : memref<!tpu.dma_semaphore, #tpu.memory_space<semaphore_mem>>)
      %dma_wait3A_102 = tpu.memref_slice %arg5[%mul3A_9] : memref<10240xi32, #tpu.memory_space<hbm>> -> memref<320xi32, #tpu.memory_space<hbm>>
      %dma_wait3A_103 = tpu.memref_slice %arg5[%mul3A_9] : memref<10240xi32, #tpu.memory_space<hbm>> -> memref<320xi32, #tpu.memory_space<hbm>>
      tpu.wait_dma2 semaphore(%run_scoped3A_99 : memref<!tpu.dma_semaphore, #tpu.memory_space<semaphore_mem>>) src(%dma_wait3A_103 : memref<320xi32, #tpu.memory_space<hbm>>) dst(%arg13 : memref<320xi32, #tpu.memory_space<vmem>>)
      tpu.yield
    }) : () -> ()
    %dma_start3A = arith.constant 0 : i32
    %dma_start3A_10 = arith.constant 0 : i32
    %dma_start3A_11 = arith.constant 0 : i32
    %dma_start3A_12 = tpu.memref_slice %arg14[%dma_start3A, %dma_start3A_10, %dma_start3A_11] : memref<4x80x128xf32, #tpu.memory_space<vmem>> -> memref<1x80x128xf32, #tpu.memory_space<vmem>>
    %dma_start3A_13 = tpu.memref_squeeze %dma_start3A_12 : memref<1x80x128xf32, #tpu.memory_space<vmem>> -> memref<80x128xf32, #tpu.memory_space<vmem>>
    %dma_start3A_14 = arith.constant 0 : i32
    %dma_start3A_15 = tpu.memref_slice %arg13[%dma_start3A_14] : memref<320xi32, #tpu.memory_space<vmem>> -> memref<80xi32, #tpu.memory_space<vmem>>
    %dma_start3A_16 = arith.constant 0 : i32
    %dma_start3A_17 = arith.constant 0 : i32
    %dma_start3A_18 = tpu.memref_slice %arg6[%dma_start3A_16, %dma_start3A_17] : memref<95x128xf32, #tpu.memory_space<hbm>> -> memref<95x128xf32, #tpu.memory_space<hbm>>
    tpu.enqueue_indirect_dma source(%dma_start3A_18 : memref<95x128xf32, #tpu.memory_space<hbm>>) target(%dma_start3A_13 : memref<80x128xf32, #tpu.memory_space<vmem>>) offsets(%dma_start3A_15 : memref<80xi32, #tpu.memory_space<vmem>>) semaphore(%arg15 : memref<!tpu.dma_semaphore, #tpu.memory_space<semaphore_mem>>)
    %dma_start3A_19 = arith.constant 1 : i32
    %dma_start3A_20 = arith.constant 0 : i32
    %dma_start3A_21 = arith.constant 0 : i32
    %dma_start3A_22 = tpu.memref_slice %arg14[%dma_start3A_19, %dma_start3A_20, %dma_start3A_21] : memref<4x80x128xf32, #tpu.memory_space<vmem>> -> memref<1x80x128xf32, #tpu.memory_space<vmem>>
    %dma_start3A_23 = tpu.memref_squeeze %dma_start3A_22 : memref<1x80x128xf32, #tpu.memory_space<vmem>> -> memref<80x128xf32, #tpu.memory_space<vmem>>
    %dma_start3A_24 = arith.constant 80 : i32
    %dma_start3A_25 = tpu.memref_slice %arg13[%dma_start3A_24] : memref<320xi32, #tpu.memory_space<vmem>> -> memref<80xi32, #tpu.memory_space<vmem>>
    %dma_start3A_26 = arith.constant 0 : i32
    %dma_start3A_27 = arith.constant 0 : i32
    %dma_start3A_28 = tpu.memref_slice %arg6[%dma_start3A_26, %dma_start3A_27] : memref<95x128xf32, #tpu.memory_space<hbm>> -> memref<95x128xf32, #tpu.memory_space<hbm>>
    tpu.enqueue_indirect_dma source(%dma_start3A_28 : memref<95x128xf32, #tpu.memory_space<hbm>>) target(%dma_start3A_23 : memref<80x128xf32, #tpu.memory_space<vmem>>) offsets(%dma_start3A_25 : memref<80xi32, #tpu.memory_space<vmem>>) semaphore(%arg15 : memref<!tpu.dma_semaphore, #tpu.memory_space<semaphore_mem>>)
    %dma_start3A_29 = arith.constant 2 : i32
    %dma_start3A_30 = arith.constant 0 : i32
    %dma_start3A_31 = arith.constant 0 : i32
    %dma_start3A_32 = tpu.memref_slice %arg14[%dma_start3A_29, %dma_start3A_30, %dma_start3A_31] : memref<4x80x128xf32, #tpu.memory_space<vmem>> -> memref<1x80x128xf32, #tpu.memory_space<vmem>>
    %dma_start3A_33 = tpu.memref_squeeze %dma_start3A_32 : memref<1x80x128xf32, #tpu.memory_space<vmem>> -> memref<80x128xf32, #tpu.memory_space<vmem>>
    %dma_start3A_34 = arith.constant 160 : i32
    %dma_start3A_35 = tpu.memref_slice %arg13[%dma_start3A_34] : memref<320xi32, #tpu.memory_space<vmem>> -> memref<80xi32, #tpu.memory_space<vmem>>
    %dma_start3A_36 = arith.constant 0 : i32
    %dma_start3A_37 = arith.constant 0 : i32
    %dma_start3A_38 = tpu.memref_slice %arg6[%dma_start3A_36, %dma_start3A_37] : memref<95x128xf32, #tpu.memory_space<hbm>> -> memref<95x128xf32, #tpu.memory_space<hbm>>
    tpu.enqueue_indirect_dma source(%dma_start3A_38 : memref<95x128xf32, #tpu.memory_space<hbm>>) target(%dma_start3A_33 : memref<80x128xf32, #tpu.memory_space<vmem>>) offsets(%dma_start3A_35 : memref<80xi32, #tpu.memory_space<vmem>>) semaphore(%arg15 : memref<!tpu.dma_semaphore, #tpu.memory_space<semaphore_mem>>)
    %dma_start3A_39 = arith.constant 3 : i32
    %dma_start3A_40 = arith.constant 0 : i32
    %dma_start3A_41 = arith.constant 0 : i32
    %dma_start3A_42 = tpu.memref_slice %arg14[%dma_start3A_39, %dma_start3A_40, %dma_start3A_41] : memref<4x80x128xf32, #tpu.memory_space<vmem>> -> memref<1x80x128xf32, #tpu.memory_space<vmem>>
    %dma_start3A_43 = tpu.memref_squeeze %dma_start3A_42 : memref<1x80x128xf32, #tpu.memory_space<vmem>> -> memref<80x128xf32, #tpu.memory_space<vmem>>
    %dma_start3A_44 = arith.constant 240 : i32
    %dma_start3A_45 = tpu.memref_slice %arg13[%dma_start3A_44] : memref<320xi32, #tpu.memory_space<vmem>> -> memref<80xi32, #tpu.memory_space<vmem>>
    %dma_start3A_46 = arith.constant 0 : i32
    %dma_start3A_47 = arith.constant 0 : i32
    %dma_start3A_48 = tpu.memref_slice %arg6[%dma_start3A_46, %dma_start3A_47] : memref<95x128xf32, #tpu.memory_space<hbm>> -> memref<95x128xf32, #tpu.memory_space<hbm>>
    tpu.enqueue_indirect_dma source(%dma_start3A_48 : memref<95x128xf32, #tpu.memory_space<hbm>>) target(%dma_start3A_43 : memref<80x128xf32, #tpu.memory_space<vmem>>) offsets(%dma_start3A_45 : memref<80xi32, #tpu.memory_space<vmem>>) semaphore(%arg15 : memref<!tpu.dma_semaphore, #tpu.memory_space<semaphore_mem>>)
    %dma_wait3A = arith.constant 0 : i32
    %dma_wait3A_49 = arith.constant 0 : i32
    %dma_wait3A_50 = arith.constant 0 : i32
    %dma_wait3A_51 = tpu.memref_slice %arg14[%dma_wait3A, %dma_wait3A_49, %dma_wait3A_50] : memref<4x80x128xf32, #tpu.memory_space<vmem>> -> memref<1x80x128xf32, #tpu.memory_space<vmem>>
    %dma_wait3A_52 = tpu.memref_squeeze %dma_wait3A_51 : memref<1x80x128xf32, #tpu.memory_space<vmem>> -> memref<80x128xf32, #tpu.memory_space<vmem>>
    %dma_wait3A_53 = arith.constant 0 : i32
    %dma_wait3A_54 = tpu.memref_slice %arg13[%dma_wait3A_53] : memref<320xi32, #tpu.memory_space<vmem>> -> memref<80xi32, #tpu.memory_space<vmem>>
    %dma_wait3A_55 = arith.constant 0 : i32
    %dma_wait3A_56 = arith.constant 0 : i32
    %dma_wait3A_57 = tpu.memref_slice %arg6[%dma_wait3A_55, %dma_wait3A_56] : memref<95x128xf32, #tpu.memory_space<hbm>> -> memref<95x128xf32, #tpu.memory_space<hbm>>
    tpu.wait_indirect_dma semaphore(%arg15 : memref<!tpu.dma_semaphore, #tpu.memory_space<semaphore_mem>>) src(%dma_wait3A_57 : memref<95x128xf32, #tpu.memory_space<hbm>>) dst(%dma_wait3A_52 : memref<80x128xf32, #tpu.memory_space<vmem>>)
    %add3A_58 = arith.constant 0 : i32
    %add3A_59 = arith.addi %mul3A_9, %add3A_58 : i32
    %run_scoped3A = arith.constant 0 : i32
    "tpu.region"() ({
      %run_scoped3A_99 = tpu.sem_alloc : memref<!tpu.dma_semaphore, #tpu.memory_space<semaphore_mem>>
      %dma_start3A_100 = arith.constant 0 : i32
      %dma_start3A_101 = arith.constant 0 : i32
      %dma_start3A_102 = tpu.memref_slice %arg14[%run_scoped3A, %dma_start3A_100, %dma_start3A_101] : memref<4x80x128xf32, #tpu.memory_space<vmem>> -> memref<1x80x128xf32, #tpu.memory_space<vmem>>
      %dma_start3A_103 = tpu.memref_squeeze %dma_start3A_102 : memref<1x80x128xf32, #tpu.memory_space<vmem>> -> memref<80x128xf32, #tpu.memory_space<vmem>>
      %dma_start3A_104 = arith.constant 0 : i32
      %dma_start3A_105 = tpu.memref_slice %arg9[%add3A_59, %dma_start3A_104] : memref<10240x128xf32, #tpu.memory_space<hbm>> -> memref<80x128xf32, #tpu.memory_space<hbm>>
      %dma_start3A_106 = arith.constant 0 : i32
      %dma_start3A_107 = tpu.memref_slice %arg9[%add3A_59, %dma_start3A_106] : memref<10240x128xf32, #tpu.memory_space<hbm>> -> memref<80x128xf32, #tpu.memory_space<hbm>>
      %dma_start3A_108 = arith.constant 0 : i32
      %dma_start3A_109 = arith.constant 0 : i32
      %dma_start3A_110 = tpu.memref_slice %arg14[%run_scoped3A, %dma_start3A_108, %dma_start3A_109] : memref<4x80x128xf32, #tpu.memory_space<vmem>> -> memref<1x80x128xf32, #tpu.memory_space<vmem>>
      %dma_start3A_111 = tpu.memref_squeeze %dma_start3A_110 : memref<1x80x128xf32, #tpu.memory_space<vmem>> -> memref<80x128xf32, #tpu.memory_space<vmem>>
      tpu.enqueue_dma source(%dma_start3A_111 : memref<80x128xf32, #tpu.memory_space<vmem>>) target(%dma_start3A_107 : memref<80x128xf32, #tpu.memory_space<hbm>>) target_semaphore(%run_scoped3A_99 : memref<!tpu.dma_semaphore, #tpu.memory_space<semaphore_mem>>)
      %dma_wait3A_112 = arith.constant 0 : i32
      %dma_wait3A_113 = arith.constant 0 : i32
      %dma_wait3A_114 = tpu.memref_slice %arg14[%run_scoped3A, %dma_wait3A_112, %dma_wait3A_113] : memref<4x80x128xf32, #tpu.memory_space<vmem>> -> memref<1x80x128xf32, #tpu.memory_space<vmem>>
      %dma_wait3A_115 = tpu.memref_squeeze %dma_wait3A_114 : memref<1x80x128xf32, #tpu.memory_space<vmem>> -> memref<80x128xf32, #tpu.memory_space<vmem>>
      %dma_wait3A_116 = arith.constant 0 : i32
      %dma_wait3A_117 = tpu.memref_slice %arg9[%add3A_59, %dma_wait3A_116] : memref<10240x128xf32, #tpu.memory_space<hbm>> -> memref<80x128xf32, #tpu.memory_space<hbm>>
      %dma_wait3A_118 = arith.constant 0 : i32
      %dma_wait3A_119 = tpu.memref_slice %arg9[%add3A_59, %dma_wait3A_118] : memref<10240x128xf32, #tpu.memory_space<hbm>> -> memref<80x128xf32, #tpu.memory_space<hbm>>
      %dma_wait3A_120 = arith.constant 0 : i32
      %dma_wait3A_121 = arith.constant 0 : i32
      %dma_wait3A_122 = tpu.memref_slice %arg14[%run_scoped3A, %dma_wait3A_120, %dma_wait3A_121] : memref<4x80x128xf32, #tpu.memory_space<vmem>> -> memref<1x80x128xf32, #tpu.memory_space<vmem>>
      %dma_wait3A_123 = tpu.memref_squeeze %dma_wait3A_122 : memref<1x80x128xf32, #tpu.memory_space<vmem>> -> memref<80x128xf32, #tpu.memory_space<vmem>>
      tpu.wait_dma2 semaphore(%run_scoped3A_99 : memref<!tpu.dma_semaphore, #tpu.memory_space<semaphore_mem>>) src(%dma_wait3A_123 : memref<80x128xf32, #tpu.memory_space<vmem>>) dst(%dma_wait3A_119 : memref<80x128xf32, #tpu.memory_space<hbm>>)
      tpu.yield
    }) : () -> ()
    %dma_wait3A_60 = arith.constant 1 : i32
    %dma_wait3A_61 = arith.constant 0 : i32
    %dma_wait3A_62 = arith.constant 0 : i32
    %dma_wait3A_63 = tpu.memref_slice %arg14[%dma_wait3A_60, %dma_wait3A_61, %dma_wait3A_62] : memref<4x80x128xf32, #tpu.memory_space<vmem>> -> memref<1x80x128xf32, #tpu.memory_space<vmem>>
    %dma_wait3A_64 = tpu.memref_squeeze %dma_wait3A_63 : memref<1x80x128xf32, #tpu.memory_space<vmem>> -> memref<80x128xf32, #tpu.memory_space<vmem>>
    %dma_wait3A_65 = arith.constant 80 : i32
    %dma_wait3A_66 = tpu.memref_slice %arg13[%dma_wait3A_65] : memref<320xi32, #tpu.memory_space<vmem>> -> memref<80xi32, #tpu.memory_space<vmem>>
    %dma_wait3A_67 = arith.constant 0 : i32
    %dma_wait3A_68 = arith.constant 0 : i32
    %dma_wait3A_69 = tpu.memref_slice %arg6[%dma_wait3A_67, %dma_wait3A_68] : memref<95x128xf32, #tpu.memory_space<hbm>> -> memref<95x128xf32, #tpu.memory_space<hbm>>
    tpu.wait_indirect_dma semaphore(%arg15 : memref<!tpu.dma_semaphore, #tpu.memory_space<semaphore_mem>>) src(%dma_wait3A_69 : memref<95x128xf32, #tpu.memory_space<hbm>>) dst(%dma_wait3A_64 : memref<80x128xf32, #tpu.memory_space<vmem>>)
    %add3A_70 = arith.constant 80 : i32
    %add3A_71 = arith.addi %mul3A_9, %add3A_70 : i32
    %run_scoped3A_72 = arith.constant 1 : i32
    "tpu.region"() ({
      %run_scoped3A_99 = tpu.sem_alloc : memref<!tpu.dma_semaphore, #tpu.memory_space<semaphore_mem>>
      %dma_start3A_100 = arith.constant 0 : i32
      %dma_start3A_101 = arith.constant 0 : i32
      %dma_start3A_102 = tpu.memref_slice %arg14[%run_scoped3A_72, %dma_start3A_100, %dma_start3A_101] : memref<4x80x128xf32, #tpu.memory_space<vmem>> -> memref<1x80x128xf32, #tpu.memory_space<vmem>>
      %dma_start3A_103 = tpu.memref_squeeze %dma_start3A_102 : memref<1x80x128xf32, #tpu.memory_space<vmem>> -> memref<80x128xf32, #tpu.memory_space<vmem>>
      %dma_start3A_104 = arith.constant 0 : i32
      %dma_start3A_105 = tpu.memref_slice %arg9[%add3A_71, %dma_start3A_104] : memref<10240x128xf32, #tpu.memory_space<hbm>> -> memref<80x128xf32, #tpu.memory_space<hbm>>
      %dma_start3A_106 = arith.constant 0 : i32
      %dma_start3A_107 = tpu.memref_slice %arg9[%add3A_71, %dma_start3A_106] : memref<10240x128xf32, #tpu.memory_space<hbm>> -> memref<80x128xf32, #tpu.memory_space<hbm>>
      %dma_start3A_108 = arith.constant 0 : i32
      %dma_start3A_109 = arith.constant 0 : i32
      %dma_start3A_110 = tpu.memref_slice %arg14[%run_scoped3A_72, %dma_start3A_108, %dma_start3A_109] : memref<4x80x128xf32, #tpu.memory_space<vmem>> -> memref<1x80x128xf32, #tpu.memory_space<vmem>>
      %dma_start3A_111 = tpu.memref_squeeze %dma_start3A_110 : memref<1x80x128xf32, #tpu.memory_space<vmem>> -> memref<80x128xf32, #tpu.memory_space<vmem>>
      tpu.enqueue_dma source(%dma_start3A_111 : memref<80x128xf32, #tpu.memory_space<vmem>>) target(%dma_start3A_107 : memref<80x128xf32, #tpu.memory_space<hbm>>) target_semaphore(%run_scoped3A_99 : memref<!tpu.dma_semaphore, #tpu.memory_space<semaphore_mem>>)
      %dma_wait3A_112 = arith.constant 0 : i32
      %dma_wait3A_113 = arith.constant 0 : i32
      %dma_wait3A_114 = tpu.memref_slice %arg14[%run_scoped3A_72, %dma_wait3A_112, %dma_wait3A_113] : memref<4x80x128xf32, #tpu.memory_space<vmem>> -> memref<1x80x128xf32, #tpu.memory_space<vmem>>
      %dma_wait3A_115 = tpu.memref_squeeze %dma_wait3A_114 : memref<1x80x128xf32, #tpu.memory_space<vmem>> -> memref<80x128xf32, #tpu.memory_space<vmem>>
      %dma_wait3A_116 = arith.constant 0 : i32
      %dma_wait3A_117 = tpu.memref_slice %arg9[%add3A_71, %dma_wait3A_116] : memref<10240x128xf32, #tpu.memory_space<hbm>> -> memref<80x128xf32, #tpu.memory_space<hbm>>
      %dma_wait3A_118 = arith.constant 0 : i32
      %dma_wait3A_119 = tpu.memref_slice %arg9[%add3A_71, %dma_wait3A_118] : memref<10240x128xf32, #tpu.memory_space<hbm>> -> memref<80x128xf32, #tpu.memory_space<hbm>>
      %dma_wait3A_120 = arith.constant 0 : i32
      %dma_wait3A_121 = arith.constant 0 : i32
      %dma_wait3A_122 = tpu.memref_slice %arg14[%run_scoped3A_72, %dma_wait3A_120, %dma_wait3A_121] : memref<4x80x128xf32, #tpu.memory_space<vmem>> -> memref<1x80x128xf32, #tpu.memory_space<vmem>>
      %dma_wait3A_123 = tpu.memref_squeeze %dma_wait3A_122 : memref<1x80x128xf32, #tpu.memory_space<vmem>> -> memref<80x128xf32, #tpu.memory_space<vmem>>
      tpu.wait_dma2 semaphore(%run_scoped3A_99 : memref<!tpu.dma_semaphore, #tpu.memory_space<semaphore_mem>>) src(%dma_wait3A_123 : memref<80x128xf32, #tpu.memory_space<vmem>>) dst(%dma_wait3A_119 : memref<80x128xf32, #tpu.memory_space<hbm>>)
      tpu.yield
    }) : () -> ()
    %dma_wait3A_73 = arith.constant 2 : i32
    %dma_wait3A_74 = arith.constant 0 : i32
    %dma_wait3A_75 = arith.constant 0 : i32
    %dma_wait3A_76 = tpu.memref_slice %arg14[%dma_wait3A_73, %dma_wait3A_74, %dma_wait3A_75] : memref<4x80x128xf32, #tpu.memory_space<vmem>> -> memref<1x80x128xf32, #tpu.memory_space<vmem>>
    %dma_wait3A_77 = tpu.memref_squeeze %dma_wait3A_76 : memref<1x80x128xf32, #tpu.memory_space<vmem>> -> memref<80x128xf32, #tpu.memory_space<vmem>>
    %dma_wait3A_78 = arith.constant 160 : i32
    %dma_wait3A_79 = tpu.memref_slice %arg13[%dma_wait3A_78] : memref<320xi32, #tpu.memory_space<vmem>> -> memref<80xi32, #tpu.memory_space<vmem>>
    %dma_wait3A_80 = arith.constant 0 : i32
    %dma_wait3A_81 = arith.constant 0 : i32
    %dma_wait3A_82 = tpu.memref_slice %arg6[%dma_wait3A_80, %dma_wait3A_81] : memref<95x128xf32, #tpu.memory_space<hbm>> -> memref<95x128xf32, #tpu.memory_space<hbm>>
    tpu.wait_indirect_dma semaphore(%arg15 : memref<!tpu.dma_semaphore, #tpu.memory_space<semaphore_mem>>) src(%dma_wait3A_82 : memref<95x128xf32, #tpu.memory_space<hbm>>) dst(%dma_wait3A_77 : memref<80x128xf32, #tpu.memory_space<vmem>>)
    %add3A_83 = arith.constant 160 : i32
    %add3A_84 = arith.addi %mul3A_9, %add3A_83 : i32
    %run_scoped3A_85 = arith.constant 2 : i32
    "tpu.region"() ({
      %run_scoped3A_99 = tpu.sem_alloc : memref<!tpu.dma_semaphore, #tpu.memory_space<semaphore_mem>>
      %dma_start3A_100 = arith.constant 0 : i32
      %dma_start3A_101 = arith.constant 0 : i32
      %dma_start3A_102 = tpu.memref_slice %arg14[%run_scoped3A_85, %dma_start3A_100, %dma_start3A_101] : memref<4x80x128xf32, #tpu.memory_space<vmem>> -> memref<1x80x128xf32, #tpu.memory_space<vmem>>
      %dma_start3A_103 = tpu.memref_squeeze %dma_start3A_102 : memref<1x80x128xf32, #tpu.memory_space<vmem>> -> memref<80x128xf32, #tpu.memory_space<vmem>>
      %dma_start3A_104 = arith.constant 0 : i32
      %dma_start3A_105 = tpu.memref_slice %arg9[%add3A_84, %dma_start3A_104] : memref<10240x128xf32, #tpu.memory_space<hbm>> -> memref<80x128xf32, #tpu.memory_space<hbm>>
      %dma_start3A_106 = arith.constant 0 : i32
      %dma_start3A_107 = tpu.memref_slice %arg9[%add3A_84, %dma_start3A_106] : memref<10240x128xf32, #tpu.memory_space<hbm>> -> memref<80x128xf32, #tpu.memory_space<hbm>>
      %dma_start3A_108 = arith.constant 0 : i32
      %dma_start3A_109 = arith.constant 0 : i32
      %dma_start3A_110 = tpu.memref_slice %arg14[%run_scoped3A_85, %dma_start3A_108, %dma_start3A_109] : memref<4x80x128xf32, #tpu.memory_space<vmem>> -> memref<1x80x128xf32, #tpu.memory_space<vmem>>
      %dma_start3A_111 = tpu.memref_squeeze %dma_start3A_110 : memref<1x80x128xf32, #tpu.memory_space<vmem>> -> memref<80x128xf32, #tpu.memory_space<vmem>>
      tpu.enqueue_dma source(%dma_start3A_111 : memref<80x128xf32, #tpu.memory_space<vmem>>) target(%dma_start3A_107 : memref<80x128xf32, #tpu.memory_space<hbm>>) target_semaphore(%run_scoped3A_99 : memref<!tpu.dma_semaphore, #tpu.memory_space<semaphore_mem>>)
      %dma_wait3A_112 = arith.constant 0 : i32
      %dma_wait3A_113 = arith.constant 0 : i32
      %dma_wait3A_114 = tpu.memref_slice %arg14[%run_scoped3A_85, %dma_wait3A_112, %dma_wait3A_113] : memref<4x80x128xf32, #tpu.memory_space<vmem>> -> memref<1x80x128xf32, #tpu.memory_space<vmem>>
      %dma_wait3A_115 = tpu.memref_squeeze %dma_wait3A_114 : memref<1x80x128xf32, #tpu.memory_space<vmem>> -> memref<80x128xf32, #tpu.memory_space<vmem>>
      %dma_wait3A_116 = arith.constant 0 : i32
      %dma_wait3A_117 = tpu.memref_slice %arg9[%add3A_84, %dma_wait3A_116] : memref<10240x128xf32, #tpu.memory_space<hbm>> -> memref<80x128xf32, #tpu.memory_space<hbm>>
      %dma_wait3A_118 = arith.constant 0 : i32
      %dma_wait3A_119 = tpu.memref_slice %arg9[%add3A_84, %dma_wait3A_118] : memref<10240x128xf32, #tpu.memory_space<hbm>> -> memref<80x128xf32, #tpu.memory_space<hbm>>
      %dma_wait3A_120 = arith.constant 0 : i32
      %dma_wait3A_121 = arith.constant 0 : i32
      %dma_wait3A_122 = tpu.memref_slice %arg14[%run_scoped3A_85, %dma_wait3A_120, %dma_wait3A_121] : memref<4x80x128xf32, #tpu.memory_space<vmem>> -> memref<1x80x128xf32, #tpu.memory_space<vmem>>
      %dma_wait3A_123 = tpu.memref_squeeze %dma_wait3A_122 : memref<1x80x128xf32, #tpu.memory_space<vmem>> -> memref<80x128xf32, #tpu.memory_space<vmem>>
      tpu.wait_dma2 semaphore(%run_scoped3A_99 : memref<!tpu.dma_semaphore, #tpu.memory_space<semaphore_mem>>) src(%dma_wait3A_123 : memref<80x128xf32, #tpu.memory_space<vmem>>) dst(%dma_wait3A_119 : memref<80x128xf32, #tpu.memory_space<hbm>>)
      tpu.yield
    }) : () -> ()
    %dma_wait3A_86 = arith.constant 3 : i32
    %dma_wait3A_87 = arith.constant 0 : i32
    %dma_wait3A_88 = arith.constant 0 : i32
    %dma_wait3A_89 = tpu.memref_slice %arg14[%dma_wait3A_86, %dma_wait3A_87, %dma_wait3A_88] : memref<4x80x128xf32, #tpu.memory_space<vmem>> -> memref<1x80x128xf32, #tpu.memory_space<vmem>>
    %dma_wait3A_90 = tpu.memref_squeeze %dma_wait3A_89 : memref<1x80x128xf32, #tpu.memory_space<vmem>> -> memref<80x128xf32, #tpu.memory_space<vmem>>
    %dma_wait3A_91 = arith.constant 240 : i32
    %dma_wait3A_92 = tpu.memref_slice %arg13[%dma_wait3A_91] : memref<320xi32, #tpu.memory_space<vmem>> -> memref<80xi32, #tpu.memory_space<vmem>>
    %dma_wait3A_93 = arith.constant 0 : i32
    %dma_wait3A_94 = arith.constant 0 : i32
    %dma_wait3A_95 = tpu.memref_slice %arg6[%dma_wait3A_93, %dma_wait3A_94] : memref<95x128xf32, #tpu.memory_space<hbm>> -> memref<95x128xf32, #tpu.memory_space<hbm>>
    tpu.wait_indirect_dma semaphore(%arg15 : memref<!tpu.dma_semaphore, #tpu.memory_space<semaphore_mem>>) src(%dma_wait3A_95 : memref<95x128xf32, #tpu.memory_space<hbm>>) dst(%dma_wait3A_90 : memref<80x128xf32, #tpu.memory_space<vmem>>)
    %add3A_96 = arith.constant 240 : i32
    %add3A_97 = arith.addi %mul3A_9, %add3A_96 : i32
    %run_scoped3A_98 = arith.constant 3 : i32
    "tpu.region"() ({
      %run_scoped3A_99 = tpu.sem_alloc : memref<!tpu.dma_semaphore, #tpu.memory_space<semaphore_mem>>
      %dma_start3A_100 = arith.constant 0 : i32
      %dma_start3A_101 = arith.constant 0 : i32
      %dma_start3A_102 = tpu.memref_slice %arg14[%run_scoped3A_98, %dma_start3A_100, %dma_start3A_101] : memref<4x80x128xf32, #tpu.memory_space<vmem>> -> memref<1x80x128xf32, #tpu.memory_space<vmem>>
      %dma_start3A_103 = tpu.memref_squeeze %dma_start3A_102 : memref<1x80x128xf32, #tpu.memory_space<vmem>> -> memref<80x128xf32, #tpu.memory_space<vmem>>
      %dma_start3A_104 = arith.constant 0 : i32
      %dma_start3A_105 = tpu.memref_slice %arg9[%add3A_97, %dma_start3A_104] : memref<10240x128xf32, #tpu.memory_space<hbm>> -> memref<80x128xf32, #tpu.memory_space<hbm>>
      %dma_start3A_106 = arith.constant 0 : i32
      %dma_start3A_107 = tpu.memref_slice %arg9[%add3A_97, %dma_start3A_106] : memref<10240x128xf32, #tpu.memory_space<hbm>> -> memref<80x128xf32, #tpu.memory_space<hbm>>
      %dma_start3A_108 = arith.constant 0 : i32
      %dma_start3A_109 = arith.constant 0 : i32
      %dma_start3A_110 = tpu.memref_slice %arg14[%run_scoped3A_98, %dma_start3A_108, %dma_start3A_109] : memref<4x80x128xf32, #tpu.memory_space<vmem>> -> memref<1x80x128xf32, #tpu.memory_space<vmem>>
      %dma_start3A_111 = tpu.memref_squeeze %dma_start3A_110 : memref<1x80x128xf32, #tpu.memory_space<vmem>> -> memref<80x128xf32, #tpu.memory_space<vmem>>
      tpu.enqueue_dma source(%dma_start3A_111 : memref<80x128xf32, #tpu.memory_space<vmem>>) target(%dma_start3A_107 : memref<80x128xf32, #tpu.memory_space<hbm>>) target_semaphore(%run_scoped3A_99 : memref<!tpu.dma_semaphore, #tpu.memory_space<semaphore_mem>>)
      %dma_wait3A_112 = arith.constant 0 : i32
      %dma_wait3A_113 = arith.constant 0 : i32
      %dma_wait3A_114 = tpu.memref_slice %arg14[%run_scoped3A_98, %dma_wait3A_112, %dma_wait3A_113] : memref<4x80x128xf32, #tpu.memory_space<vmem>> -> memref<1x80x128xf32, #tpu.memory_space<vmem>>
      %dma_wait3A_115 = tpu.memref_squeeze %dma_wait3A_114 : memref<1x80x128xf32, #tpu.memory_space<vmem>> -> memref<80x128xf32, #tpu.memory_space<vmem>>
      %dma_wait3A_116 = arith.constant 0 : i32
      %dma_wait3A_117 = tpu.memref_slice %arg9[%add3A_97, %dma_wait3A_116] : memref<10240x128xf32, #tpu.memory_space<hbm>> -> memref<80x128xf32, #tpu.memory_space<hbm>>
      %dma_wait3A_118 = arith.constant 0 : i32
      %dma_wait3A_119 = tpu.memref_slice %arg9[%add3A_97, %dma_wait3A_118] : memref<10240x128xf32, #tpu.memory_space<hbm>> -> memref<80x128xf32, #tpu.memory_space<hbm>>
      %dma_wait3A_120 = arith.constant 0 : i32
      %dma_wait3A_121 = arith.constant 0 : i32
      %dma_wait3A_122 = tpu.memref_slice %arg14[%run_scoped3A_98, %dma_wait3A_120, %dma_wait3A_121] : memref<4x80x128xf32, #tpu.memory_space<vmem>> -> memref<1x80x128xf32, #tpu.memory_space<vmem>>
      %dma_wait3A_123 = tpu.memref_squeeze %dma_wait3A_122 : memref<1x80x128xf32, #tpu.memory_space<vmem>> -> memref<80x128xf32, #tpu.memory_space<vmem>>
      tpu.wait_dma2 semaphore(%run_scoped3A_99 : memref<!tpu.dma_semaphore, #tpu.memory_space<semaphore_mem>>) src(%dma_wait3A_123 : memref<80x128xf32, #tpu.memory_space<vmem>>) dst(%dma_wait3A_119 : memref<80x128xf32, #tpu.memory_space<hbm>>)
      tpu.yield
    }) : () -> ()
    return
  }
}

module attributes {stable_mosaic.version = 14 : i64} {
  func.func @_tc_body(%arg0: i32, %arg1: memref<1x1x6400xi32, #tpu.memory_space<vmem>>, %arg2: memref<1x1x6400xi32, #tpu.memory_space<vmem>>, %arg3: memref<1x6x6400xf32, #tpu.memory_space<vmem>>, %arg4: memref<1x50x128xf32, #tpu.memory_space<vmem>>, %arg5: memref<128x128xf32, #tpu.memory_space<vmem>>, %arg6: memref<384x128xf32, #tpu.memory_space<vmem>>, %arg7: memref<8x128xf32, #tpu.memory_space<vmem>>, %arg8: memref<1x128xf32, #tpu.memory_space<vmem>>, %arg9: memref<1x6400x128xf32, #tpu.memory_space<vmem>>, %arg10: memref<1x6x50x128xf32, #tpu.memory_space<vmem>>, %arg11: memref<264x128xf32, #tpu.memory_space<vmem>>, %arg12: memref<1x128xf32, #tpu.memory_space<vmem>>) attributes {dimension_semantics = [#tpu.dimension_semantics<arbitrary>], iteration_bounds = array<i64: 50>, scalar_prefetch = 0 : i64, scratch_operands = 2 : i64, tpu.core_type = #tpu.core_type<tc>, window_params = [{transform_indices = @transform_0, window_bounds = array<i64: 1, 1, 6400>}, {transform_indices = @transform_1, window_bounds = array<i64: 1, 1, 6400>}, {transform_indices = @transform_2, window_bounds = array<i64: 1, 6, 6400>}, {transform_indices = @transform_3, window_bounds = array<i64: 1, 50, 128>}, {pipeline_mode = #tpu.pipeline_mode<synchronous>, transform_indices = @transform_4, window_bounds = array<i64: 128, 128>}, {pipeline_mode = #tpu.pipeline_mode<synchronous>, transform_indices = @transform_5, window_bounds = array<i64: 384, 128>}, {pipeline_mode = #tpu.pipeline_mode<synchronous>, transform_indices = @transform_6, window_bounds = array<i64: 8, 128>}, {pipeline_mode = #tpu.pipeline_mode<synchronous>, transform_indices = @transform_7, window_bounds = array<i64: 1, 128>}, {transform_indices = @transform_8, window_bounds = array<i64: 1, 6400, 128>}, {transform_indices = @transform_9, window_bounds = array<i64: 1, 6, 50, 128>}]} {
    %eq3A = arith.constant 0 : i32
    %eq3A_0 = arith.cmpi eq, %arg0, %eq3A : i32
    %convert_element_type3A = arith.extui %eq3A_0 : i1 to i32
    %cond3A = arith.constant 0 : i32
    %cond3A_1 = arith.cmpi ne, %convert_element_type3A, %cond3A : i32
    scf.if %cond3A_1 {
      %get3A_133 = arith.constant 0 : index
      %get3A_134 = arith.constant 0 : index
      %get3A_135 = vector.load %arg5[%get3A_133, %get3A_134] : memref<128x128xf32, #tpu.memory_space<vmem>>, vector<128x128xf32>
      %get3A_136 = arith.constant 256 : index
      %get3A_137 = arith.constant 0 : index
      %get3A_138 = vector.load %arg6[%get3A_136, %get3A_137] : memref<384x128xf32, #tpu.memory_space<vmem>>, vector<128x128xf32>
      %get3A_139 = arith.constant 0 : index
      %get3A_140 = arith.constant 0 : index
      %get3A_141 = vector.load %arg6[%get3A_139, %get3A_140] : memref<384x128xf32, #tpu.memory_space<vmem>>, vector<128x128xf32>
      %dot_general3A_142 = arith.constant dense<0.000000e+00> : vector<128x128xf32>
      %dot_general3A_143 = tpu.matmul %get3A_135, %get3A_141, %dot_general3A_142 {dimension_numbers = #tpu.dot_dimension_numbers<[1], [0], [0], [1], [0, 0, 1, 1], [], []>, transpose_lhs_hint = false} : vector<128x128xf32>, vector<128x128xf32>, vector<128x128xf32> -> vector<128x128xf32>
      %swap3A_144 = arith.constant 0 : index
      %swap3A_145 = arith.constant 0 : index
      %swap3A_146 = vector.load %arg11[%swap3A_144, %swap3A_145] : memref<264x128xf32, #tpu.memory_space<vmem>>, vector<128x128xf32>
      tpu.vector_store %arg11[%swap3A_144, %swap3A_145], %dot_general3A_143 {strides = array<i32>} : memref<264x128xf32, #tpu.memory_space<vmem>>, vector<128x128xf32>,
      %get3A_147 = arith.constant 128 : index
      %get3A_148 = arith.constant 0 : index
      %get3A_149 = vector.load %arg6[%get3A_147, %get3A_148] : memref<384x128xf32, #tpu.memory_space<vmem>>, vector<128x128xf32>
      %dot_general3A_150 = arith.constant dense<0.000000e+00> : vector<128x128xf32>
      %dot_general3A_151 = tpu.matmul %get3A_135, %get3A_149, %dot_general3A_150 {dimension_numbers = #tpu.dot_dimension_numbers<[1], [0], [0], [1], [0, 0, 1, 1], [], []>, transpose_lhs_hint = false} : vector<128x128xf32>, vector<128x128xf32>, vector<128x128xf32> -> vector<128x128xf32>
      %swap3A_152 = arith.constant 128 : index
      %swap3A_153 = arith.constant 0 : index
      %swap3A_154 = vector.load %arg11[%swap3A_152, %swap3A_153] : memref<264x128xf32, #tpu.memory_space<vmem>>, vector<128x128xf32>
      tpu.vector_store %arg11[%swap3A_152, %swap3A_153], %dot_general3A_151 {strides = array<i32>} : memref<264x128xf32, #tpu.memory_space<vmem>>, vector<128x128xf32>,
      %get3A_155 = arith.constant 0 : index
      %get3A_156 = arith.constant 0 : index
      %get3A_157 = vector.load %arg7[%get3A_155, %get3A_156] : memref<8x128xf32, #tpu.memory_space<vmem>>, vector<8x128xf32>
      %dot_general3A_158 = arith.constant dense<0.000000e+00> : vector<8x128xf32>
      %dot_general3A_159 = tpu.matmul %get3A_157, %get3A_138, %dot_general3A_158 {dimension_numbers = #tpu.dot_dimension_numbers<[1], [0], [0], [1], [0, 0, 1, 1], [], []>, transpose_lhs_hint = false} : vector<8x128xf32>, vector<128x128xf32>, vector<8x128xf32> -> vector<8x128xf32>
      %swap3A_160 = arith.constant 256 : index
      %swap3A_161 = arith.constant 0 : index
      %swap3A_162 = vector.load %arg11[%swap3A_160, %swap3A_161] : memref<264x128xf32, #tpu.memory_space<vmem>>, vector<8x128xf32>
      tpu.vector_store %arg11[%swap3A_160, %swap3A_161], %dot_general3A_159 {strides = array<i32>} : memref<264x128xf32, #tpu.memory_space<vmem>>, vector<8x128xf32>,
      %get3A_163 = arith.constant 0 : index
      %get3A_164 = arith.constant 0 : index
      %get3A_165 = vector.load %arg8[%get3A_163, %get3A_164] : memref<1x128xf32, #tpu.memory_space<vmem>>, vector<1x128xf32>
      %swap3A_166 = arith.constant 0 : index
      %swap3A_167 = arith.constant 0 : index
      %swap3A_168 = vector.load %arg12[%swap3A_166, %swap3A_167] : memref<1x128xf32, #tpu.memory_space<vmem>>, vector<1x128xf32>
      tpu.vector_store %arg12[%swap3A_166, %swap3A_167], %get3A_165 {strides = array<i32>} : memref<1x128xf32, #tpu.memory_space<vmem>>, vector<1x128xf32>,
    } else {
    }
    %get3A = arith.constant 0 : index
    %get3A_2 = arith.constant 0 : index
    %get3A_3 = arith.constant 0 : index
    %get3A_4 = vector.load %arg1[%get3A, %get3A_2, %get3A_3] : memref<1x1x6400xi32, #tpu.memory_space<vmem>>, vector<1x1x6400xi32>
    %get3A_5 = vector.shape_cast %get3A_4 : vector<1x1x6400xi32> to vector<1x6400xi32>
    %get3A_6 = arith.constant 0 : index
    %get3A_7 = arith.constant 0 : index
    %get3A_8 = arith.constant 0 : index
    %get3A_9 = vector.load %arg2[%get3A_6, %get3A_7, %get3A_8] : memref<1x1x6400xi32, #tpu.memory_space<vmem>>, vector<1x1x6400xi32>
    %get3A_10 = vector.shape_cast %get3A_9 : vector<1x1x6400xi32> to vector<1x6400xi32>
    %iota3A = tpu.iota {dimensions = array<i32: 0>} : vector<128x6400xi32>
    %iota3A_11 = tpu.iota {dimensions = array<i32: 0>} : vector<2x6400xi32>
    %eq3A_12 = arith.constant 0 : i32
    %eq3A_13 = vector.broadcast %eq3A_12 : i32 to vector<2x6400xi32>
    %eq3A_14 = arith.cmpi eq, %iota3A_11, %eq3A_13 : vector<2x6400xi32>
    %convert_element_type3A_15 = arith.extui %eq3A_14 : vector<2x6400xi1> to vector<2x6400xi32>
    %convert_element_type3A_16 = arith.sitofp %convert_element_type3A_15 : vector<2x6400xi32> to vector<2x6400xf32>
    %eq3A_17 = vector.broadcast %get3A_5 : vector<1x6400xi32> to vector<128x6400xi32>
    %eq3A_18 = arith.cmpi eq, %eq3A_17, %iota3A : vector<128x6400xi32>
    %convert_element_type3A_19 = arith.extui %eq3A_18 : vector<128x6400xi1> to vector<128x6400xi32>
    %convert_element_type3A_20 = arith.sitofp %convert_element_type3A_19 : vector<128x6400xi32> to vector<128x6400xf32>
    %eq3A_21 = vector.broadcast %get3A_10 : vector<1x6400xi32> to vector<128x6400xi32>
    %eq3A_22 = arith.cmpi eq, %eq3A_21, %iota3A : vector<128x6400xi32>
    %convert_element_type3A_23 = arith.extui %eq3A_22 : vector<128x6400xi1> to vector<128x6400xi32>
    %convert_element_type3A_24 = arith.sitofp %convert_element_type3A_23 : vector<128x6400xi32> to vector<128x6400xf32>
    %get3A_25 = arith.constant 0 : index
    %get3A_26 = arith.constant 0 : index
    %get3A_27 = arith.constant 0 : index
    %get3A_28 = vector.load %arg3[%get3A_25, %get3A_26, %get3A_27] : memref<1x6x6400xf32, #tpu.memory_space<vmem>>, vector<1x6x6400xf32>
    %get3A_29 = vector.shape_cast %get3A_28 : vector<1x6x6400xf32> to vector<6x6400xf32>
    %concatenate3A = tpu.concatenate %convert_element_type3A_20, %convert_element_type3A_24, %get3A_29, %convert_element_type3A_16 in 0 : vector<128x6400xf32>, vector<128x6400xf32>, vector<6x6400xf32>, vector<2x6400xf32> -> vector<264x6400xf32>
    %get3A_30 = arith.constant 0 : index
    %get3A_31 = arith.constant 0 : index
    %get3A_32 = vector.load %arg11[%get3A_30, %get3A_31] : memref<264x128xf32, #tpu.memory_space<vmem>>, vector<264x128xf32>
    %dot_general3A = arith.constant dense<0.000000e+00> : vector<6400x128xf32>
    %dot_general3A_33 = tpu.matmul %concatenate3A, %get3A_32, %dot_general3A {dimension_numbers = #tpu.dot_dimension_numbers<[0], [0], [1], [1], [0, 1, 1, 1], [], []>, transpose_lhs_hint = false} : vector<264x6400xf32>, vector<264x128xf32>, vector<6400x128xf32> -> vector<6400x128xf32>
    %get3A_34 = arith.constant 0 : index
    %get3A_35 = arith.constant 0 : index
    %get3A_36 = vector.load %arg12[%get3A_34, %get3A_35] : memref<1x128xf32, #tpu.memory_space<vmem>>, vector<1x128xf32>
    %add3A = vector.broadcast %get3A_36 : vector<1x128xf32> to vector<6400x128xf32>
    %add3A_37 = arith.addf %dot_general3A_33, %add3A : vector<6400x128xf32>
    %swap3A = arith.constant 0 : index
    %swap3A_38 = arith.constant 0 : index
    %swap3A_39 = arith.constant 0 : index
    %swap3A_40 = vector.load %arg9[%swap3A, %swap3A_38, %swap3A_39] : memref<1x6400x128xf32, #tpu.memory_space<vmem>>, vector<1x6400x128xf32>
    %swap3A_41 = vector.shape_cast %swap3A_40 : vector<1x6400x128xf32> to vector<6400x128xf32>
    %swap3A_42 = vector.shape_cast %add3A_37 : vector<6400x128xf32> to vector<1x6400x128xf32>
    tpu.vector_store %arg9[%swap3A, %swap3A_38, %swap3A_39], %swap3A_42 {strides = array<i32>} : memref<1x6400x128xf32, #tpu.memory_space<vmem>>, vector<1x6400x128xf32>,
    %get3A_43 = arith.constant 0 : index
    %get3A_44 = arith.constant 0 : index
    %get3A_45 = arith.constant 0 : index
    %get3A_46 = vector.load %arg4[%get3A_43, %get3A_44, %get3A_45] : memref<1x50x128xf32, #tpu.memory_space<vmem>>, vector<1x50x128xf32>
    %get3A_47 = vector.shape_cast %get3A_46 : vector<1x50x128xf32> to vector<50x128xf32>
    %mul3A = arith.constant 2.000000e-01 : f32
    %mul3A_48 = vector.broadcast %mul3A : f32 to vector<50x128xf32>
    %mul3A_49 = arith.mulf %get3A_47, %mul3A_48 : vector<50x128xf32>
    %div3A = arith.constant 1.000000e+00 : f32
    %div3A_50 = vector.broadcast %div3A : f32 to vector<50x128xf32>
    %div3A_51 = arith.divf %div3A_50, %mul3A_49 : vector<50x128xf32>
    %mul3A_52 = arith.mulf %mul3A_49, %mul3A_49 : vector<50x128xf32>
    %mul3A_53 = arith.mulf %mul3A_52, %mul3A_52 : vector<50x128xf32>
    %mul3A_54 = arith.mulf %mul3A_53, %mul3A_49 : vector<50x128xf32>
    %mul3A_55 = arith.constant 2.100000e+01 : f32
    %mul3A_56 = vector.broadcast %mul3A_55 : f32 to vector<50x128xf32>
    %mul3A_57 = arith.mulf %mul3A_56, %mul3A_49 : vector<50x128xf32>
    %sub3A = arith.constant 4.800000e+01 : f32
    %sub3A_58 = vector.broadcast %sub3A : f32 to vector<50x128xf32>
    %sub3A_59 = arith.subf %sub3A_58, %mul3A_57 : vector<50x128xf32>
    %mul3A_60 = arith.mulf %mul3A_49, %sub3A_59 : vector<50x128xf32>
    %add3A_61 = arith.constant -2.800000e+01 : f32
    %add3A_62 = vector.broadcast %add3A_61 : f32 to vector<50x128xf32>
    %add3A_63 = arith.addf %add3A_62, %mul3A_60 : vector<50x128xf32>
    %mul3A_64 = arith.mulf %mul3A_54, %add3A_63 : vector<50x128xf32>
    %add3A_65 = arith.addf %div3A_51, %mul3A_64 : vector<50x128xf32>
    %mul3A_66 = arith.mulf %add3A_65, %div3A_51 : vector<50x128xf32>
    %mul3A_67 = arith.constant 0.632455527 : f32
    %mul3A_68 = vector.broadcast %mul3A_67 : f32 to vector<50x128xf32>
    %mul3A_69 = arith.mulf %mul3A_66, %mul3A_68 : vector<50x128xf32>
    %mul3A_70 = arith.constant 3.14159274 : f32
    %mul3A_71 = vector.broadcast %mul3A_70 : f32 to vector<50x128xf32>
    %mul3A_72 = arith.mulf %mul3A_71, %mul3A_49 : vector<50x128xf32>
    %sin3A = math.sin %mul3A_72 : vector<50x128xf32>
    %cos3A = math.cos %mul3A_72 : vector<50x128xf32>
    %mul3A_73 = arith.constant 2.000000e+00 : f32
    %mul3A_74 = vector.broadcast %mul3A_73 : f32 to vector<50x128xf32>
    %mul3A_75 = arith.mulf %mul3A_74, %cos3A : vector<50x128xf32>
    %mul3A_76 = arith.mulf %mul3A_75, %sin3A : vector<50x128xf32>
    %mul3A_77 = arith.mulf %mul3A_75, %mul3A_76 : vector<50x128xf32>
    %sub3A_78 = arith.subf %mul3A_77, %sin3A : vector<50x128xf32>
    %mul3A_79 = arith.mulf %mul3A_75, %sub3A_78 : vector<50x128xf32>
    %sub3A_80 = arith.subf %mul3A_79, %mul3A_76 : vector<50x128xf32>
    %mul3A_81 = arith.mulf %mul3A_75, %sub3A_80 : vector<50x128xf32>
    %sub3A_82 = arith.subf %mul3A_81, %sub3A_78 : vector<50x128xf32>
    %mul3A_83 = arith.mulf %mul3A_75, %sub3A_82 : vector<50x128xf32>
    %sub3A_84 = arith.subf %mul3A_83, %sub3A_80 : vector<50x128xf32>
    %mul3A_85 = arith.mulf %mul3A_69, %sin3A : vector<50x128xf32>
    %swap3A_86 = arith.constant 0 : index
    %swap3A_87 = arith.constant 0 : index
    %swap3A_88 = arith.constant 0 : index
    %swap3A_89 = arith.constant 0 : index
    %swap3A_90 = vector.load %arg10[%swap3A_86, %swap3A_87, %swap3A_88, %swap3A_89] : memref<1x6x50x128xf32, #tpu.memory_space<vmem>>, vector<1x1x50x128xf32>
    %swap3A_91 = vector.shape_cast %swap3A_90 : vector<1x1x50x128xf32> to vector<50x128xf32>
    %swap3A_92 = vector.shape_cast %mul3A_85 : vector<50x128xf32> to vector<1x1x50x128xf32>
    tpu.vector_store %arg10[%swap3A_86, %swap3A_87, %swap3A_88, %swap3A_89], %swap3A_92 {strides = array<i32>} : memref<1x6x50x128xf32, #tpu.memory_space<vmem>>, vector<1x1x50x128xf32>,
    %mul3A_93 = arith.mulf %mul3A_69, %mul3A_76 : vector<50x128xf32>
    %swap3A_94 = arith.constant 0 : index
    %swap3A_95 = arith.constant 1 : index
    %swap3A_96 = arith.constant 0 : index
    %swap3A_97 = arith.constant 0 : index
    %swap3A_98 = vector.load %arg10[%swap3A_94, %swap3A_95, %swap3A_96, %swap3A_97] : memref<1x6x50x128xf32, #tpu.memory_space<vmem>>, vector<1x1x50x128xf32>
    %swap3A_99 = vector.shape_cast %swap3A_98 : vector<1x1x50x128xf32> to vector<50x128xf32>
    %swap3A_100 = vector.shape_cast %mul3A_93 : vector<50x128xf32> to vector<1x1x50x128xf32>
    tpu.vector_store %arg10[%swap3A_94, %swap3A_95, %swap3A_96, %swap3A_97], %swap3A_100 {strides = array<i32>} : memref<1x6x50x128xf32, #tpu.memory_space<vmem>>, vector<1x1x50x128xf32>,
    %mul3A_101 = arith.mulf %mul3A_69, %sub3A_78 : vector<50x128xf32>
    %swap3A_102 = arith.constant 0 : index
    %swap3A_103 = arith.constant 2 : index
    %swap3A_104 = arith.constant 0 : index
    %swap3A_105 = arith.constant 0 : index
    %swap3A_106 = vector.load %arg10[%swap3A_102, %swap3A_103, %swap3A_104, %swap3A_105] : memref<1x6x50x128xf32, #tpu.memory_space<vmem>>, vector<1x1x50x128xf32>
    %swap3A_107 = vector.shape_cast %swap3A_106 : vector<1x1x50x128xf32> to vector<50x128xf32>
    %swap3A_108 = vector.shape_cast %mul3A_101 : vector<50x128xf32> to vector<1x1x50x128xf32>
    tpu.vector_store %arg10[%swap3A_102, %swap3A_103, %swap3A_104, %swap3A_105], %swap3A_108 {strides = array<i32>} : memref<1x6x50x128xf32, #tpu.memory_space<vmem>>, vector<1x1x50x128xf32>,
    %mul3A_109 = arith.mulf %mul3A_69, %sub3A_80 : vector<50x128xf32>
    %swap3A_110 = arith.constant 0 : index
    %swap3A_111 = arith.constant 3 : index
    %swap3A_112 = arith.constant 0 : index
    %swap3A_113 = arith.constant 0 : index
    %swap3A_114 = vector.load %arg10[%swap3A_110, %swap3A_111, %swap3A_112, %swap3A_113] : memref<1x6x50x128xf32, #tpu.memory_space<vmem>>, vector<1x1x50x128xf32>
    %swap3A_115 = vector.shape_cast %swap3A_114 : vector<1x1x50x128xf32> to vector<50x128xf32>
    %swap3A_116 = vector.shape_cast %mul3A_109 : vector<50x128xf32> to vector<1x1x50x128xf32>
    tpu.vector_store %arg10[%swap3A_110, %swap3A_111, %swap3A_112, %swap3A_113], %swap3A_116 {strides = array<i32>} : memref<1x6x50x128xf32, #tpu.memory_space<vmem>>, vector<1x1x50x128xf32>,
    %mul3A_117 = arith.mulf %mul3A_69, %sub3A_82 : vector<50x128xf32>
    %swap3A_118 = arith.constant 0 : index
    %swap3A_119 = arith.constant 4 : index
    %swap3A_120 = arith.constant 0 : index
    %swap3A_121 = arith.constant 0 : index
    %swap3A_122 = vector.load %arg10[%swap3A_118, %swap3A_119, %swap3A_120, %swap3A_121] : memref<1x6x50x128xf32, #tpu.memory_space<vmem>>, vector<1x1x50x128xf32>
    %swap3A_123 = vector.shape_cast %swap3A_122 : vector<1x1x50x128xf32> to vector<50x128xf32>
    %swap3A_124 = vector.shape_cast %mul3A_117 : vector<50x128xf32> to vector<1x1x50x128xf32>
    tpu.vector_store %arg10[%swap3A_118, %swap3A_119, %swap3A_120, %swap3A_121], %swap3A_124 {strides = array<i32>} : memref<1x6x50x128xf32, #tpu.memory_space<vmem>>, vector<1x1x50x128xf32>,
    %mul3A_125 = arith.mulf %mul3A_69, %sub3A_84 : vector<50x128xf32>
    %swap3A_126 = arith.constant 0 : index
    %swap3A_127 = arith.constant 5 : index
    %swap3A_128 = arith.constant 0 : index
    %swap3A_129 = arith.constant 0 : index
    %swap3A_130 = vector.load %arg10[%swap3A_126, %swap3A_127, %swap3A_128, %swap3A_129] : memref<1x6x50x128xf32, #tpu.memory_space<vmem>>, vector<1x1x50x128xf32>
    %swap3A_131 = vector.shape_cast %swap3A_130 : vector<1x1x50x128xf32> to vector<50x128xf32>
    %swap3A_132 = vector.shape_cast %mul3A_125 : vector<50x128xf32> to vector<1x1x50x128xf32>
    tpu.vector_store %arg10[%swap3A_126, %swap3A_127, %swap3A_128, %swap3A_129], %swap3A_132 {strides = array<i32>} : memref<1x6x50x128xf32, #tpu.memory_space<vmem>>, vector<1x1x50x128xf32>,
    return
  }
  func.func @transform_0(%arg0: i32) -> (i32, i32, i32) {
    %c0_i32 = arith.constant 0 : i32
    %c0_i32_0 = arith.constant 0 : i32
    %c0_i32_1 = arith.constant 0 : i32
    return %arg0, %c0_i32, %c0_i32_0 : i32, i32, i32
  }
  func.func @transform_1(%arg0: i32) -> (i32, i32, i32) {
    %c0_i32 = arith.constant 0 : i32
    %c0_i32_0 = arith.constant 0 : i32
    %c0_i32_1 = arith.constant 0 : i32
    return %arg0, %c0_i32, %c0_i32_0 : i32, i32, i32
  }
  func.func @transform_2(%arg0: i32) -> (i32, i32, i32) {
    %c0_i32 = arith.constant 0 : i32
    %c0_i32_0 = arith.constant 0 : i32
    %c0_i32_1 = arith.constant 0 : i32
    return %arg0, %c0_i32, %c0_i32_0 : i32, i32, i32
  }
  func.func @transform_3(%arg0: i32) -> (i32, i32, i32) {
    %c0_i32 = arith.constant 0 : i32
    %c0_i32_0 = arith.constant 0 : i32
    %c0_i32_1 = arith.constant 0 : i32
    return %arg0, %c0_i32, %c0_i32_0 : i32, i32, i32
  }
  func.func @transform_4(%arg0: i32) -> (i32, i32) {
    %c0_i32 = arith.constant 0 : i32
    %c0_i32_0 = arith.constant 0 : i32
    %c0_i32_1 = arith.constant 0 : i32
    return %c0_i32, %c0_i32_0 : i32, i32
  }
  func.func @transform_5(%arg0: i32) -> (i32, i32) {
    %c0_i32 = arith.constant 0 : i32
    %c0_i32_0 = arith.constant 0 : i32
    %c0_i32_1 = arith.constant 0 : i32
    return %c0_i32, %c0_i32_0 : i32, i32
  }
  func.func @transform_6(%arg0: i32) -> (i32, i32) {
    %c0_i32 = arith.constant 0 : i32
    %c0_i32_0 = arith.constant 0 : i32
    %c0_i32_1 = arith.constant 0 : i32
    return %c0_i32, %c0_i32_0 : i32, i32
  }
  func.func @transform_7(%arg0: i32) -> (i32, i32) {
    %c0_i32 = arith.constant 0 : i32
    %c0_i32_0 = arith.constant 0 : i32
    %c0_i32_1 = arith.constant 0 : i32
    return %c0_i32, %c0_i32_0 : i32, i32
  }
  func.func @transform_8(%arg0: i32) -> (i32, i32, i32) {
    %c0_i32 = arith.constant 0 : i32
    %c0_i32_0 = arith.constant 0 : i32
    %c0_i32_1 = arith.constant 0 : i32
    return %arg0, %c0_i32, %c0_i32_0 : i32, i32, i32
  }
  func.func @transform_9(%arg0: i32) -> (i32, i32, i32, i32) {
    %c0_i32 = arith.constant 0 : i32
    %c0_i32_0 = arith.constant 0 : i32
    %c0_i32_1 = arith.constant 0 : i32
    %c0_i32_2 = arith.constant 0 : i32
    return %arg0, %c0_i32, %c0_i32_0, %c0_i32_1 : i32, i32, i32, i32
  }
}

</mosaic_0001>

<sc_bundles>
// kernel: kernel.4.cloned.1.call-start
scs
__scs_entry_jumppad:
0x0: {  	(pc) =	sbr.rel $0x88, $3  }
0x1: {  	(tag) =	ssettag $0x0;
	lr =	simm.s32 $0x1  }
0x2: {  	[smem:$0x3F98] =	sst lr;
	_ =	strace $0xD0000000  }
0x3: {  	_ = 	snop  }
0x4: {  	_ = 	snop  }
0x5: {  	_ = 	snop  }
0x6: {  	_ = 	snop  }
0x7: {  	_ = 	snop  }
__scs_overlays_trampoline_lowered:
0x8: {  	[smem:$0x3FA7] =	sst s0  }
0x9: {  	[smem:$0x3FA8] =	sst s1  }
0xa: {  	[smem:$0x3FA9] =	sst s2  }
0xb: {  	[smem:$0x3FAA] =	sst s3  }
0xc: {  	[smem:$0x3FAB] =	sst s4  }
0xd: {  	[smem:$0x3FAC] =	sst s5  }
0xe: {  	[smem:$0x3FAD] =	sst s6  }
0xf: {  	[smem:$0x3FAE] =	sst s7  }
0x10: {  	[smem:$0x3FAF] =	sst s8  }
0x11: {  	[smem:$0x3FB0] =	sst s9;
	s0 =	simm.s32 @!p0 $0x0  }
0x12: {  	s1 =	sld [smem:$0x3F96];
	s0 =	simm.s32 @p0 $0x1  }
0x13: {  	[smem:$0x3FB1] =	sst s0;
	s0 =	simm.s32 @!p1 $0x0  }
0x14: {  	s2 =	sld [smem:$0x3F95];
	s0 =	simm.s32 @p1 $0x1  }
0x15: {  	[smem:$0x3FB2] =	sst s0;
	s0 =	simm.s32 @!p2 $0x0  }
0x16: {  	s3 =	sld [smem:$0x3FDB];
	s0 =	simm.s32 @p2 $0x1  }
0x17: {  	s4 =	simm.s32 $0x1BF5;
	[smem:$0x3FB4] =	sst s0  }
0x18: {  	s0 =	sld [smem:$0x3F97];
	_ =	swait.ge [sflag:s4], $0x0  }
0x19: {  	s7 =	sld [smem:$0x3F98]  }
0x1a: {  	s8 =	sadd.s32 $0xFFFFE003, lr  }
0x1b: {  	s9 =	sadd.s32 $0xFFFFFEF7, lr;
	s5 =	simm.s32 $0xFFFFFFFF;
	p2 =	slt.u32 s8, $0xFFFFF086  }
0x1c: {  	p1 =	slt.u32 s9, $0xF7A;
	s5 =	simm.s32 @!p2 $0x0  }
0x1d: {  	s5 =	simm.s32 @p1 $0x1;
	p0 =	seq.s32 s7, s2  }
0x1e: {  	s7 =	smul.u32 @!p0 $0xF7A, s2;
	p2 =	seq.s32 @!p0 s5, $0x0  }
0x1f: {  	s9 =	smul.u32 $0xF7A, s1;
	s8 =	simm.s32 @!p0 $0x1BF5;
	p2 =	por !p2, p0  }
0x20: {  	[sflag:s8] =	ssyncset.s32 @!p0 $0xFFFFF086;
	s6 =	sadd.s32 @!p0 s3, s7;
	s7 =	simm.s32 @!p0 $0x108  }
0x21: {  	s3 =	sadd.s32 s3, s9;
	s6 =	sadd.s32 @!p0 $0x88, s6;
	s7 =	simm.s32 @p2 $0x1082  }
0x22: {  	[simem:s7], [sflag:s8] =	dma.local @!p0 [hbm:s6], $0xF7A  }
0x23: {  	s9 =	sor.u32 $0xD0000000, s2;
	s6 =	simm.s32 $0x108;
	_ =	swait.ge @!p0 [sflag:s8], $0x0  }
0x24: {  	s3 =	sadd.s32 $0x88, s3;
	s6 =	simm.s32 @!p1 $0x1082;
	[sflag:s4] =	ssyncset.s32 $0xFFFFF086  }
0x25: {  	[simem:s6], [sflag:s4] =	dma.local [hbm:s3], $0xF7A  }
0x26: {  	[smem:$0x3F98] =	sst s1;
	(tag) =	ssettag s2;
	_ =	strace s9  }
0x27: {  	s1 =	sld [smem:$0x3FA8]  }
0x28: {  	s2 =	sld [smem:$0x3FA9]  }
0x29: {  	s4 =	sld [smem:$0x3FAB]  }
0x2a: {  	p0 =	seq.s32 s5, $0x0;
	s5 =	sld [smem:$0x3FAC]  }
0x2b: {  	s6 =	sld [smem:$0x3FAD]  }
0x2c: {  	s7 =	sld [smem:$0x3FAE]  }
0x2d: {  	s3 =	simm.s32 $0x108;
	s8 =	sld [smem:$0x3FAF]  }
0x2e: {  	s3 =	simm.s32 @!p0 $0x1082;
	s9 =	sld [smem:$0x3FB0]  }
0x2f: {  	lr =	sadd.s32 s0, s3;
	s0 =	sld [smem:$0x3FA7]  }
0x30: {  	s3 =	sld [smem:$0x3FAA]  }
0x31: {  	[smem:$0x3FB3] =	sst s10  }
0x32: {  	s10 =	sld [smem:$0x3FB1];
	_ =	sdelay $0x3  }
0x33: {  	p0 =	seq.s32 s10, $0x1;
	s10 =	sld [smem:$0x3FB3];
	_ =	sdelay $0x3  }
0x34: {  	[smem:$0x3FB3] =	sst s10  }
0x35: {  	s10 =	sld [smem:$0x3FB2];
	_ =	sdelay $0x3  }
0x36: {  	p1 =	seq.s32 s10, $0x1;
	s10 =	sld [smem:$0x3FB3];
	_ =	sdelay $0x3  }
0x37: {  	[smem:$0x3FB3] =	sst s10  }
0x38: {  	s10 =	sld [smem:$0x3FB4]  }
0x39: {  	_ = 	snop;
	(pc) =	sbr.ind lr, $3  }
0x3a: {  	_ = 	snop  }
0x3b: {  	_ = 	snop  }
0x3c: {  	p2 =	seq.s32 s10, $0x1;
	s10 =	sld [smem:$0x3FB3]  }
0x3d: {  	_ =	shalt  }
0x3e: {  	_ =	shalt  }
0x3f: {  	_ =	shalt  }
0x40: {  	_ =	shalt  }
0x41: {  	_ =	shalt  }
0x42: {  	_ =	shalt  }
0x43: {  	_ =	shalt  }
0x44: {  	_ =	shalt  }
0x45: {  	_ =	shalt  }
0x46: {  	_ =	shalt  }
0x47: {  	_ =	shalt  }
0x48: {  	_ =	shalt  }
0x49: {  	_ =	shalt  }
0x4a: {  	_ =	shalt  }
0x4b: {  	_ =	shalt  }
0x4c: {  	_ =	shalt  }
0x4d: {  	_ =	shalt  }
0x4e: {  	_ =	shalt  }
0x4f: {  	_ =	shalt  }
0x50: {  	_ =	shalt  }
0x51: {  	_ =	shalt  }
0x52: {  	_ =	shalt  }
0x53: {  	_ =	shalt  }
0x54: {  	_ =	shalt  }
0x55: {  	_ =	shalt  }
0x56: {  	_ =	shalt  }
0x57: {  	_ =	shalt  }
0x58: {  	_ =	shalt  }
0x59: {  	_ =	shalt  }
0x5a: {  	_ =	shalt  }
0x5b: {  	_ =	shalt  }
0x5c: {  	_ =	shalt  }
0x5d: {  	_ =	shalt  }
0x5e: {  	_ =	shalt  }
0x5f: {  	_ =	shalt  }
0x60: {  	_ =	shalt  }
0x61: {  	_ =	shalt  }
0x62: {  	_ =	shalt  }
0x63: {  	_ =	shalt  }
0x64: {  	_ =	shalt  }
0x65: {  	_ =	shalt  }
0x66: {  	_ =	shalt  }
0x67: {  	_ =	shalt  }
0x68: {  	_ =	shalt  }
0x69: {  	_ =	shalt  }
0x6a: {  	_ =	shalt  }
0x6b: {  	_ =	shalt  }
0x6c: {  	_ =	shalt  }
0x6d: {  	_ =	shalt  }
0x6e: {  	_ =	shalt  }
0x6f: {  	_ =	shalt  }
0x70: {  	_ =	shalt  }
0x71: {  	_ =	shalt  }
0x72: {  	_ =	shalt  }
0x73: {  	_ =	shalt  }
0x74: {  	_ =	shalt  }
0x75: {  	_ =	shalt  }
0x76: {  	_ =	shalt  }
0x77: {  	_ =	shalt  }
0x78: {  	_ =	shalt  }
0x79: {  	_ =	shalt  }
0x7a: {  	_ =	shalt  }
0x7b: {  	_ =	shalt  }
0x7c: {  	_ =	shalt  }
0x7d: {  	_ =	shalt  }
0x7e: {  	_ =	shalt  }
0x7f: {  	_ =	shalt  }
0x80: {  	_ =	shalt  }
0x81: {  	_ =	shalt  }
0x82: {  	_ =	shalt  }
0x83: {  	_ =	shalt  }
0x84: {  	_ =	shalt  }
0x85: {  	_ =	shalt  }
0x86: {  	_ =	shalt  }
0x87: {  	_ =	shalt  }
.Lfunc_end0:
.L_simem_size_0:
called_computation_lowered:
.L_overlay_start_0:
0x88: {  	s2 =	sld [smem:$0x3FD9]  }
0x89: {  	s3 =	sld [smem:$0x3FFE];
	_ =	sdelay $0x1  }
0x8a: {  	s1 =	srdreg.scid  }
0x8b: {  	s0 =	sand.u32 $0x1, s1  }
0x8c: {  	s14 =	sshll.u32 s0, $0xA;
	s2 =	sadd.s32 s3, s2  }
0x8d: {  	s2 =	sadd.s32 s2, s14  }
0x8e: {  	[smem:$0x3FBF] =	sst s2  }
0x8f: {  	_ = 	snop  }
0x90: {  	s2 =	sld [smem:$0x3FD0];
	_ =	sdelay $0x1  }
0x91: {  	s15 =	sld [smem:$0x3FC9]  }
0x92: {  	s5 =	simm.s32 $0xA;
	s6 =	simm.s32 $0x10;
	s4 =	sld [smem:$0x3FC5]  }
0x93: {  	[smem:s6], [sflag:s5] =	dma.local [hbm:s2], $0x1  }
0x94: {  	_ =	swait.eq [sflag:s5], $0x1  }
0x95: {  	s16 =	sld [smem:$0x10];
	[sflag:s5] =	ssyncset.done $0x0  }
0x96: {  	s17 =	sld [smem:$0x11];
	[sflag:s5] =	ssyncadd.s32 $0xFFFFFFFF  }
0x97: {  	s18 =	sld [smem:$0x12];
	(tm) =	ssettm $0x1  }
0x98: {  	s7 =	sld [smem:$0x3FFB];
	_ =	sdelay $0x3  }
0x99: {  	_ =	strace s7  }
0x9a: {  	s7 =	sld [smem:$0x3FFC];
	_ =	sdelay $0x3  }
0x9b: {  	_ =	strace s7  }
0x9c: {  	s7 =	sld [smem:$0x3FFD];
	_ =	sdelay $0x3  }
0x9d: {  	_ =	strace s7  }
0x9e: {  	_ =	strace $0x8FFFFFFF  }
0x9f: {  	s19 =	sld [smem:$0x3FDB];
	_ =	sdelay $0x1  }
0xa0: {  	s8 =	simm.s32 $_scs_section_size  }
0xa1: {  	s9 =	simm.s32 $_size__tile_overlayer_lowered;
	s10 =	simm.s32 $_tile_overlayer_lowered  }
0xa2: {  	s22 =	simm.s32 $0x1BFF;
	s21 =	sshll.u32 s10, $0x1;
	s7 =	sadd.s32 s8, s19  }
0xa3: {  	s11 =	simm.s32 $0x0;
	s20 =	sshll.u32 s9, $0x1;
	s9 =	sadd.s32 s21, s7  }
0xa4: {  	[timem:s11], [sflag:s22] =	dma.local [hbm:s9], s20  }
0xa5: {  	_ =	swait.ge [sflag:s22], s20  }
0xa6: {  	s8 =	ssub.s32 $0x0, s20;
	[sflag:s22] =	ssyncset.done $0x0  }
0xa7: {  	[sflag:s22] =	ssyncadd.s32 s8;
	_ =	sdelay $0x1  }
0xa8: {  	s23 =	simm.s32 $0x1B8B  }
0xa9: {  	_ =	swait.ge [sflag:s23], $0x1  }
0xaa: {  	[sflag:s23] =	ssyncset.done $0x0  }
0xab: {  	s25 =	simm.s32 $0x1B8E;
	s24 =	sld [smem:$0x3FFE];
	[sflag:s23] =	ssyncadd.s32 $0xFFFFFFFF  }
0xac: {  	s26 =	simm.s32 $execute0_lowered;
	[smem:$0x3FD2] =	sst s25  }
0xad: {  	s9 =	sshll.u32 s26, $0x1;
	_ =	strace $0x80000046;
	[dreg:$0x1] =	wrdreg $0xFFFFFFFF  }
0xae: {  	s28 =	simm.s32 $_size_execute0_lowered;
	s7 =	sadd.s32 s7, s9;
	[dreg:$0x0] =	wrdreg $0x0  }
0xaf: {  	s9 =	sshll.u32 s28, $0x1;
	[dreg:$0x2] =	wrdreg s7  }
0xb0: {  	[dreg:$0x3] =	wrdreg s9  }
0xb1: {  	[dreg:$0x4] =	wrdreg $0xC0  }
0xb2: {  	_ =	task [dreg:s11], $0x5FFFF  }
0xb3: {  	[dreg:$0x1] =	wrdreg $0xFFFFFFFF  }
0xb4: {  	[dreg:$0x0] =	wrdreg $0x60  }
0xb5: {  	[dreg:$0x2] =	wrdreg s17  }
0xb6: {  	[dreg:$0x3] =	wrdreg s16  }
0xb7: {  	[dreg:$0x4] =	wrdreg s15  }
0xb8: {  	[dreg:$0x5] =	wrdreg s24  }
0xb9: {  	[dreg:$0x6] =	wrdreg s4  }
0xba: {  	[dreg:$0x7] =	wrdreg s18  }
0xbb: {  	[dreg:$0x8] =	wrdreg $0x9  }
0xbc: {  	_ =	task.clear_ibuf [dreg:s11], $0x9FFFF;
	_ =	strace $0x90000046  }
0xbd: {  	s29 =	simm.s32 $0x9;
	_ =	strace $0x80000048  }
0xbe: {  	_ =	swait.ge [sflag:s29], $0x1  }
0xbf: {  	[sflag:s29] =	ssyncadd.s32 $0xFFFFFFFF  }
0xc0: {  	_ =	strace $0x90000048  }
0xc1: {  	_ =	sfence  }
0xc2: {  	s30 =	sld [smem:$0x0];
	_ =	sdelay $0x2  }
0xc3: {  	s31 =	sshll.u32 s1, $0xD;
	s1 =	sshrl.u32 s1, $0x2  }
0xc4: {  	s3 =	sand.u32 $0x4000, s31;
	s1 =	sadd.s32 s1, s30  }
0xc5: {  	s0 =	sor.u32 s3, s0;
	s1 =	sshll.u32 s1, $0x11  }
0xc6: {  	s0 =	sor.u32 s1, s0  }
0xc7: {  	s0 =	sadd.s32 $0x8F2B, s0  }
0xc8: {  	[sflag:s0] =	ssyncadd.remote.s32 $0x1  }
0xc9: {  	_ =	sfence.sel $0xFFFF  }
0xca: {  	[dreg:$0x0] =	wrdreg $0xFFFFFFFF;
	(pc) =	sbr.abs _section_cstart, $3  }
0xcb: {  	[dreg:$0x1] =	wrdreg $0xFFFFFFFF  }
0xcc: {  	_ =	task.clear_ibuf [dreg:s11], $0x2FFFF;
	_ =	strace $0x9FFFFFFF  }
0xcd: {  	(tm) =	ssettm $0x7FFFFFFF  }
tec
execute0_lowered:
.L_overlay_start_1:
0x0: {  	(tag) =	ssettag $0x1  }
0x1: {  	s2 =	rddreg [dreg:$0x0]  }
0x2: {  	s7 =	rddreg [dreg:$0x1]  }
0x3: {  	s1 =	rddreg [dreg:$0x2]  }
0x4: {  	s5 =	rddreg [dreg:$0x3];
	s4 =	srdreg.scid  }
0x5: {  	s0 =	stileid.u32;
	s3 =	rddreg [dreg:$0x4]  }
0x6: {  	s11 =	rddreg [dreg:$0x5];
	s15 =	simm.s32 $0x2;
	s16 =	simm.s32 $0x2780  }
0x7: {  	s17 =	simm.s32 $0x4F00;
	s18 =	simm.s32 $0x7680;
	s19 =	simm.s32 $0x50  }
0x8: {  	s20 =	simm.s32 $0x7800;
	s21 =	simm.s32 $0x76D0;
	s22 =	simm.s32 $0xA000  }
0x9: {  	s23 =	simm.s32 $0x7720;
	s6 =	sand.u32 $0x1, s4;
	s25 =	sshll.u32 s0, $0x1  }
0xa: {  	s24 =	simm.s32 $0xC800;
	s28 =	simm.s32 $0x1;
	s8 =	sor.u32 s6, s25  }
0xb: {  	s29 =	simm.s32 $0x0;
	s4 =	simm.s32 $0x0;
	s9 =	smul.u32 $0x28, s8  }
0xc: {  	[smem:$0x7FF] =	sst s4;
	s6 =	ssub.s32 $0x2, s6;
	s10 =	smul.u32 $0x4E2, s8  }
0xd: {  	s25 =	simm.s32 $0x7770;
	s12 =	sshrl.u32 s6, $0x1;
	s26 =	smul.u32 $0xA000, s8  }
0xe: {  	_ =	strace $0x80000047;
	s30 =	smul.u32 $0x1400, s8;
	s14 =	ssub.s32 s6, s12  }
0xf: {  	s9 =	sadd.s32 s9, s5;
	s13 =	sadd.s32 s10, s5;
	s5 =	sadd.s32 s2, s10  }
0x10: {  	s7 =	sadd.s32 s7, s10;
	s12 =	sshrl.u32 s26, $0x3;
	s10 =	sadd.s32 s11, s30  }
0x11: {  	s14 =	smax.u32 s14, $0x1;
	s26 =	simm.s32 $0xF000;
	s6 =	sadd.s32 $0x1A00, s13  }
0x12: {  	s8 =	sadd.s32 $0xB800, s13;
	s9 =	sadd.s32 $0x1400, s9;
	s31 =	sadd.s32 s11, s12  }
0x13: {  	s11 =	sadd.s32 $0x500, s31;
	s12 =	sadd.s32 $0xA00, s31;
	s13 =	sadd.s32 $0xF00, s31  }
.LBB2_1:
0x14: {  	[tilespmem:s4], [sflag:$0x2] =	stream.linear.gather [hbm4b:s1+s4], $0x2780, $0x38;
	[tilespmem:$0x11800] =	vst v63  }
0x15: {  	_ =	swait.ge [sflag:s15], $0x2780  }
0x16: {  	[sflag:s15] =	ssyncset.done $0x0  }
0x17: {  	[sflag:s15] =	ssyncadd.s32 $0xFFFFD880  }
0x18: {  	[tilespmem:s16], [sflag:$0x2] =	stream.linear.gather [hbm4b:s5+s4], $0x2710, $0x38;
	[tilespmem:$0x11800] =	vst v63  }
0x19: {  	_ =	swait.ge [sflag:s15], $0x2710  }
0x1a: {  	[sflag:s15] =	ssyncset.done $0x0  }
0x1b: {  	s2 =	simm.s32 $0x27C0;
	[sflag:s15] =	ssyncadd.s32 $0xFFFFD8F0  }
0x1c: {  	v0 =	vld [tilespmem:s2+$0x30]  }
0x1d: {  	v1 =	vld [tilespmem:s2+$0xFFFFFFD0]  }
0x1e: {  	v2 =	vld [tilespmem:s2+$0xFFFFFFE0]  }
0x1f: {  	v3 =	vld [tilespmem:s2+$0xFFFFFFF0]  }
0x20: {  	v4 =	vld [tilespmem:s2+$0x0]  }
0x21: {  	v6 =	vld [tilespmem:s2+$0x10]  }
0x22: {  	v7 =	vld [tilespmem:s2+$0x20]  }
0x23: {  	v8 =	vld [tilespmem:s2+$0xFFFFFFC0]  }
0x24: {  	v9 =	vld.idx.msk [tilespmem:v0+s4+$0x0], $0xffff  }
0x25: {  	v10 =	vld.idx.msk [tilespmem:v1+s4+$0x0], $0xffff  }
0x26: {  	v5 =	vld.idx.msk [tilespmem:v2+s4+$0x0], $0xffff  }
0x27: {  	v3 =	vld.idx.msk [tilespmem:v3+s4+$0x0], $0xffff  }
0x28: {  	v0 =	vld.idx.msk [tilespmem:v4+s4+$0x0], $0xffff  }
0x29: {  	s30 =	simm.s32 $0x4F40;
	v1 =	vld.idx.msk [tilespmem:v6+s4+$0x0], $0xffff  }
0x2a: {  	v2 =	vld.idx.msk [tilespmem:v7+s4+$0x0], $0xffff;
	[tilespmem:s30+$0x30] =	vst v9  }
0x2b: {  	s31 =	simm.s32 $0x0;
	s2 =	simm.s32 $0x2840;
	v4 =	vld.idx.msk [tilespmem:v8+s4+$0x0], $0xffff;
	[tilespmem:s30+$0xFFFFFFD0] =	vst v10  }
.LBB2_2:
0x2c: {  	v6 =	vld [tilespmem:s2+$0x30];
	s31 =	sadd.s32 $0x8, s31;
	[tilespmem:s30+$0xFFFFFFE0] =	vst v5  }
0x2d: {  	v5 =	vld [tilespmem:s2+$0xFFFFFFD0];
	p0 =	slt.u32 s31, $0x268;
	[tilespmem:s30+$0xFFFFFFF0] =	vst v3  }
0x2e: {  	v3 =	vld [tilespmem:s2+$0xFFFFFFE0];
	[tilespmem:s30+$0x0] =	vst v0  }
0x2f: {  	v0 =	vld [tilespmem:s2+$0xFFFFFFF0];
	[tilespmem:s30+$0x10] =	vst v1  }
0x30: {  	v1 =	vld [tilespmem:s2+$0x0];
	[tilespmem:s30+$0x20] =	vst v2  }
0x31: {  	v2 =	vld [tilespmem:s2+$0x10];
	[tilespmem:s30+$0xFFFFFFC0] =	vst v4  }
0x32: {  	v4 =	vld [tilespmem:s2+$0x20]  }
0x33: {  	v7 =	vld [tilespmem:s2+$0xFFFFFFC0]  }
0x34: {  	v6 =	vld.idx.msk [tilespmem:v6+s4+$0x0], $0xffff  }
0x35: {  	v8 =	vld.idx.msk [tilespmem:v5+s4+$0x0], $0xffff  }
0x36: {  	v5 =	vld.idx.msk [tilespmem:v3+s4+$0x0], $0xffff  }
.Ltmp0:
0x37: {  	v3 =	vld.idx.msk [tilespmem:v0+s4+$0x0], $0xffff;
	(pc) =	sbr.rel @p0 .LBB2_2-.Ltmp0, $4  }
0x38: {  	v0 =	vld.idx.msk [tilespmem:v1+s4+$0x0], $0xffff  }
0x39: {  	s30 =	sadd.s32 $0x80, s30;
	v1 =	vld.idx.msk [tilespmem:v2+s4+$0x0], $0xffff  }
0x3a: {  	v2 =	vld.idx.msk [tilespmem:v4+s4+$0x0], $0xffff;
	[tilespmem:s30+$0x30] =	vst v6  }
0x3b: {  	s2 =	sadd.s32 $0x80, s2;
	v4 =	vld.idx.msk [tilespmem:v7+s4+$0x0], $0xffff;
	[tilespmem:s30+$0xFFFFFFD0] =	vst v8  }
0x3c: {  	[tilespmem:s30+$0xFFFFFFE0] =	vst v5  }
0x3d: {  	[tilespmem:s30+$0xFFFFFFF0] =	vst v3  }
0x3e: {  	[tilespmem:s30+$0x0] =	vst v0  }
0x3f: {  	[tilespmem:s30+$0x10] =	vst v1  }
0x40: {  	[tilespmem:s30+$0x20] =	vst v2  }
0x41: {  	[tilespmem:s30+$0xFFFFFFC0] =	vst v4  }
0x42: {  	v0 =	vld [tilespmem:$0x4E80];
	_ =	sdelay $0x7  }
0x43: {  	v0 =	vld.idx.msk [tilespmem:v0+s4+$0x0], $0xffff;
	_ =	sdelay $0x4  }
0x44: {  	[tilespmem:$0x7600] =	vst v0  }
0x45: {  	[hbm4b:s6+s4] =	stream.linear.scatter [tilespmem:s17], [sflag:$0x2], $0x2710, $0x38;
	[tilespmem:$0x11800] =	vst v63  }
0x46: {  	_ =	swait.ge [sflag:s15], $0x2710  }
0x47: {  	[sflag:s15] =	ssyncset.done $0x0  }
0x48: {  	[sflag:s15] =	ssyncadd.s32 $0xFFFFD8F0  }
0x49: {  	[tilespmem:s16], [sflag:$0x2] =	stream.linear.gather [hbm4b:s7+s4], $0x2710, $0x38;
	[tilespmem:$0x11800] =	vst v63  }
0x4a: {  	_ =	swait.ge [sflag:s15], $0x2710  }
0x4b: {  	[sflag:s15] =	ssyncset.done $0x0  }
0x4c: {  	s2 =	simm.s32 $0x27C0;
	[sflag:s15] =	ssyncadd.s32 $0xFFFFD8F0  }
0x4d: {  	v0 =	vld [tilespmem:s2+$0x30]  }
0x4e: {  	v1 =	vld [tilespmem:s2+$0xFFFFFFD0]  }
0x4f: {  	v2 =	vld [tilespmem:s2+$0xFFFFFFE0]  }
0x50: {  	v3 =	vld [tilespmem:s2+$0xFFFFFFF0]  }
0x51: {  	v4 =	vld [tilespmem:s2+$0x0]  }
0x52: {  	v6 =	vld [tilespmem:s2+$0x10]  }
0x53: {  	v7 =	vld [tilespmem:s2+$0x20]  }
0x54: {  	v8 =	vld [tilespmem:s2+$0xFFFFFFC0]  }
0x55: {  	v9 =	vld.idx.msk [tilespmem:v0+s4+$0x0], $0xffff  }
0x56: {  	v10 =	vld.idx.msk [tilespmem:v1+s4+$0x0], $0xffff  }
0x57: {  	v5 =	vld.idx.msk [tilespmem:v2+s4+$0x0], $0xffff  }
0x58: {  	v3 =	vld.idx.msk [tilespmem:v3+s4+$0x0], $0xffff  }
0x59: {  	v0 =	vld.idx.msk [tilespmem:v4+s4+$0x0], $0xffff  }
0x5a: {  	s30 =	simm.s32 $0x4F40;
	v1 =	vld.idx.msk [tilespmem:v6+s4+$0x0], $0xffff  }
0x5b: {  	v2 =	vld.idx.msk [tilespmem:v7+s4+$0x0], $0xffff;
	[tilespmem:s30+$0x30] =	vst v9  }
0x5c: {  	s31 =	simm.s32 $0x0;
	s2 =	simm.s32 $0x2840;
	v4 =	vld.idx.msk [tilespmem:v8+s4+$0x0], $0xffff;
	[tilespmem:s30+$0xFFFFFFD0] =	vst v10  }
.LBB2_4:
0x5d: {  	v6 =	vld [tilespmem:s2+$0x30];
	s31 =	sadd.s32 $0x8, s31;
	[tilespmem:s30+$0xFFFFFFE0] =	vst v5  }
0x5e: {  	v5 =	vld [tilespmem:s2+$0xFFFFFFD0];
	p0 =	slt.u32 s31, $0x268;
	[tilespmem:s30+$0xFFFFFFF0] =	vst v3  }
0x5f: {  	v3 =	vld [tilespmem:s2+$0xFFFFFFE0];
	[tilespmem:s30+$0x0] =	vst v0  }
0x60: {  	v0 =	vld [tilespmem:s2+$0xFFFFFFF0];
	[tilespmem:s30+$0x10] =	vst v1  }
0x61: {  	v1 =	vld [tilespmem:s2+$0x0];
	[tilespmem:s30+$0x20] =	vst v2  }
0x62: {  	v2 =	vld [tilespmem:s2+$0x10];
	[tilespmem:s30+$0xFFFFFFC0] =	vst v4  }
0x63: {  	v4 =	vld [tilespmem:s2+$0x20]  }
0x64: {  	v7 =	vld [tilespmem:s2+$0xFFFFFFC0]  }
0x65: {  	v6 =	vld.idx.msk [tilespmem:v6+s4+$0x0], $0xffff  }
0x66: {  	v8 =	vld.idx.msk [tilespmem:v5+s4+$0x0], $0xffff  }
0x67: {  	v5 =	vld.idx.msk [tilespmem:v3+s4+$0x0], $0xffff  }
.Ltmp1:
0x68: {  	v3 =	vld.idx.msk [tilespmem:v0+s4+$0x0], $0xffff;
	(pc) =	sbr.rel @p0 .LBB2_4-.Ltmp1, $4  }
0x69: {  	v0 =	vld.idx.msk [tilespmem:v1+s4+$0x0], $0xffff  }
0x6a: {  	s30 =	sadd.s32 $0x80, s30;
	v1 =	vld.idx.msk [tilespmem:v2+s4+$0x0], $0xffff  }
0x6b: {  	v2 =	vld.idx.msk [tilespmem:v4+s4+$0x0], $0xffff;
	[tilespmem:s30+$0x30] =	vst v6  }
0x6c: {  	s2 =	sadd.s32 $0x80, s2;
	v4 =	vld.idx.msk [tilespmem:v7+s4+$0x0], $0xffff;
	[tilespmem:s30+$0xFFFFFFD0] =	vst v8  }
0x6d: {  	[tilespmem:s30+$0xFFFFFFE0] =	vst v5  }
0x6e: {  	[tilespmem:s30+$0xFFFFFFF0] =	vst v3  }
0x6f: {  	[tilespmem:s30+$0x0] =	vst v0  }
0x70: {  	[tilespmem:s30+$0x10] =	vst v1  }
0x71: {  	[tilespmem:s30+$0x20] =	vst v2  }
0x72: {  	[tilespmem:s30+$0xFFFFFFC0] =	vst v4  }
0x73: {  	v0 =	vld [tilespmem:$0x4E80];
	_ =	sdelay $0x7  }
0x74: {  	v0 =	vld.idx.msk [tilespmem:v0+s4+$0x0], $0xffff;
	_ =	sdelay $0x4  }
0x75: {  	[tilespmem:$0x7600] =	vst v0  }
0x76: {  	[hbm4b:s8+s4] =	stream.linear.scatter [tilespmem:s17], [sflag:$0x2], $0x2710, $0x38;
	[tilespmem:$0x11800] =	vst v63  }
0x77: {  	_ =	swait.ge [sflag:s15], $0x2710  }
0x78: {  	[sflag:s15] =	ssyncset.done $0x0  }
0x79: {  	[sflag:s15] =	ssyncadd.s32 $0xFFFFD8F0  }
0x7a: {  	[tilespmem:s18], [sflag:$0x2] =	stream.linear.gather [hbm4b:s9+s4], $0x140, $0x38;
	[tilespmem:$0x11800] =	vst v63  }
0x7b: {  	_ =	swait.ge [sflag:s15], $0x140  }
0x7c: {  	[sflag:s15] =	ssyncset.done $0x0  }
0x7d: {  	[sflag:s15] =	ssyncadd.s32 $0xFFFFFEC0  }
0x7e: {  	[tilespmem:s20], [sflag:$0x1] =	stream.indirect.gather [hbm4b:s3+s19], $0x80, s18, s19, $0xb8;
	[tilespmem:$0x11800] =	vst v63  }
0x7f: {  	_ = 	snop  }
0x80: {  	[tilespmem:s22], [sflag:$0x1] =	stream.indirect.gather [hbm4b:s3+s19], $0x80, s21, s19, $0xb8;
	[tilespmem:$0x11800] =	vst v63  }
0x81: {  	_ = 	snop  }
0x82: {  	[tilespmem:s24], [sflag:$0x1] =	stream.indirect.gather [hbm4b:s3+s19], $0x80, s23, s19, $0xb8;
	[tilespmem:$0x11800] =	vst v63  }
0x83: {  	_ = 	snop  }
0x84: {  	[tilespmem:s26], [sflag:$0x1] =	stream.indirect.gather [hbm4b:s3+s19], $0x80, s25, s19, $0xb8;
	[tilespmem:$0x11800] =	vst v63  }
0x85: {  	_ =	swait.ge [sflag:s28], $0x2800  }
0x86: {  	[sflag:s28] =	ssyncset.done $0x0  }
0x87: {  	[sflag:s28] =	ssyncadd.s32 $0xFFFFD800  }
0x88: {  	[hbm4b:s10+s4] =	stream.linear.scatter [tilespmem:s20], [sflag:$0x2], $0x2800, $0x38;
	[tilespmem:$0x11800] =	vst v63  }
0x89: {  	_ =	swait.ge [sflag:s15], $0x2800  }
0x8a: {  	[sflag:s15] =	ssyncset.done $0x0  }
0x8b: {  	[sflag:s15] =	ssyncadd.s32 $0xFFFFD800  }
0x8c: {  	_ =	swait.ge [sflag:s28], $0x2800  }
0x8d: {  	[sflag:s28] =	ssyncset.done $0x0  }
0x8e: {  	[sflag:s28] =	ssyncadd.s32 $0xFFFFD800  }
0x8f: {  	[hbm4b:s11+s4] =	stream.linear.scatter [tilespmem:s22], [sflag:$0x2], $0x2800, $0x38;
	[tilespmem:$0x11800] =	vst v63  }
0x90: {  	_ =	swait.ge [sflag:s15], $0x2800  }
0x91: {  	[sflag:s15] =	ssyncset.done $0x0  }
0x92: {  	[sflag:s15] =	ssyncadd.s32 $0xFFFFD800  }
0x93: {  	_ =	swait.ge [sflag:s28], $0x2800  }
0x94: {  	[sflag:s28] =	ssyncset.done $0x0  }
0x95: {  	[sflag:s28] =	ssyncadd.s32 $0xFFFFD800  }
0x96: {  	[hbm4b:s12+s4] =	stream.linear.scatter [tilespmem:s24], [sflag:$0x2], $0x2800, $0x38;
	[tilespmem:$0x11800] =	vst v63  }
0x97: {  	_ =	swait.ge [sflag:s15], $0x2800  }
0x98: {  	[sflag:s15] =	ssyncset.done $0x0  }
0x99: {  	[sflag:s15] =	ssyncadd.s32 $0xFFFFD800  }
0x9a: {  	s29 =	sadd.s32 $0x1, s29;
	_ =	swait.ge [sflag:s28], $0x2800  }
0x9b: {  	p0 =	sne.s32 s29, s14;
	[sflag:s28] =	ssyncset.done $0x0  }
.Ltmp2:
0x9c: {  	[sflag:s28] =	ssyncadd.s32 $0xFFFFD800;
	(pc) =	sbr.rel @p0 .LBB2_1-.Ltmp2, $4  }
0x9d: {  	[hbm4b:s13+s4] =	stream.linear.scatter [tilespmem:s26], [sflag:$0x2], $0x2800, $0x38;
	[tilespmem:$0x11800] =	vst v63  }
0x9e: {  	_ =	swait.ge [sflag:s15], $0x2800  }
0x9f: {  	[sflag:s15] =	ssyncset.done $0x0  }
0xa0: {  	[sflag:s15] =	ssyncadd.s32 $0xFFFFD800  }
0xa1: {  	_ =	sfence.sel $0x180000  }
0xa2: {  	[bflag:$0x0] =	sbarrier.arrive $0xFFFF  }
0xa3: {  	_ =	strace $0x90000047  }
0xa4: {  	[bflag:$0x2] =	sbarrier.arrive $0xFFFF  }
0xa5: {  	p0 =	sne.s32 s0, $0x0;
	s0 =	rddreg [dreg:$0x6]  }
0xa6: {  	s0 =	sadd.s32 @!p0 $0x100000, s0  }
0xa7: {  	[sflag:s0] =	ssyncadd.tile.s32 @!p0 $0x1;
	_ =	shalt  }
.Lfunc_end2:
_tile_overlayer_lowered:
.L_overlay_start_2:
0xa8: {  	(tag) =	ssettag $0x2  }
0xa9: {  	s0 =	rddreg [dreg:$0x0];
	s2 =	stileid.u32  }
0xaa: {  	s1 =	rddreg [dreg:$0x1];
	p0 =	sne.s32 s2, $0x0  }
0xab: {  	s3 =	rddreg [dreg:$0x2];
	[bflag:$0x3] =	sbarrier.arrive $0xFFFF;
	s2 =	simm.s32 @!p0 $0x1C02  }
0xac: {  	[timem:s3], [sflag:s2] =	dma.local @!p0 [hbm:s0], s1  }
0xad: {  	s0 =	simm.s32 @!p0 $0x2  }
0xae: {  	_ =	swait.ge @!p0 [sflag:s0], s1  }
0xaf: {  	s1 =	ssub.s32 @!p0 $0x0, s1;
	[sflag:s0] =	ssyncset.done @!p0 $0x0  }
0xb0: {  	[sflag:s0] =	ssyncadd.s32 @!p0 s1  }
0xb1: {  	[bflag:$0x3] =	sbarrier.arrive $0xFFFF  }
0xb2: {  	_ =	shalt  }

</sc_bundles>
